<compile_context>
chip_gen: v7x
topology: tpu7x:2x2x1
jax: 0.10.2.dev20260603
libtpu: 0.0.44.dev20260713+nightly
codegen_flags: <defaults>
</compile_context>

<pallas_src>
import jax
import jax.numpy as jnp
from jax import lax
from jax.experimental import pallas as pl
from jax.experimental.pallas import tpu as pltpu
from jax.experimental.pallas import tpu_sc as plsc

EMB = 64
WINDOW = 200
PATH = 20
NC = 2
NS = 16
L = 16
LANES = 128
WPT = 8
NTILES_W = WINDOW // WPT
PFULL = PATH // WPT
PREM = PATH - PFULL * WPT


def _sc_body(ut_hbm, vt_hbm, words_hbm, path_hbm, partials_hbm, theta_hbm,
             idx_v, buf_v, acc_v, sem):
    wid = lax.axis_index("s") * NC + lax.axis_index("c")
    rowi = lax.iota(jnp.int32, L)

    def split_idx():
        ivec = idx_v[...]
        return (ivec // LANES) * LANES, ivec % LANES

    def fire(tab, tcol, n):
        def body(r, carry):
            rvec = jnp.broadcast_to(r, (L,))
            cb = pl.multiple_of(tcol.at[rvec].get(mode="promise_in_bounds")[0],
                                LANES)
            pltpu.async_copy(tab.at[:, pl.ds(cb, LANES)], buf_v.at[r], sem)
            return carry
        lax.fori_loop(0, n, body, 0)

    def extract(lane, r):
        rvec = jnp.broadcast_to(r, (L,))
        laneb = lane.at[rvec].get(mode="promise_in_bounds")
        return [plsc.load_gather(buf_v, [rvec, rowi + (c * L), laneb])
                for c in range(EMB // L)]

    def theta_rows(pbase, n):
        tcol, lane = split_idx()
        fire(vt_hbm, tcol, n)

        def drain(r, carry):
            pltpu.make_async_copy(vt_hbm.at[:, pl.ds(0, LANES)], buf_v.at[r],
                                  sem).wait()
            g = extract(lane, r)
            for c in range(EMB // L):
                acc_v[pl.ds(c * L, L)] = g[c]
            pltpu.sync_copy(acc_v, theta_hbm.at[pbase + r])
            return carry

        lax.fori_loop(0, n, drain, 0)

    @pl.when(wid < NTILES_W)
    def _():
        base = pl.multiple_of(wid * WPT, WPT)
        pltpu.sync_copy(words_hbm.at[pl.ds(base, WPT)], idx_v.at[pl.ds(0, WPT)])
        tcol, lane = split_idx()
        fire(ut_hbm, tcol, WPT)

        def drain(r, accs):
            pltpu.make_async_copy(ut_hbm.at[:, pl.ds(0, LANES)], buf_v.at[r],
                                  sem).wait()
            g = extract(lane, r)
            return tuple(a + b for a, b in zip(accs, g))

        accs = lax.fori_loop(0, WPT, drain,
                             tuple(jnp.zeros((L,), jnp.float32)
                                   for _ in range(EMB // L)))
        for c in range(EMB // L):
            acc_v[pl.ds(c * L, L)] = accs[c]
        pltpu.sync_copy(acc_v, partials_hbm.at[wid])

    @pl.when(jnp.logical_and(wid >= NTILES_W, wid < NTILES_W + PFULL))
    def _():
        pbase = pl.multiple_of((wid - NTILES_W) * WPT, WPT)
        pltpu.sync_copy(path_hbm.at[pl.ds(pbase, WPT)], idx_v.at[pl.ds(0, WPT)])
        theta_rows(pbase, WPT)

    @pl.when(wid == NTILES_W + PFULL)
    def _():
        pltpu.sync_copy(path_hbm.at[pl.ds(PFULL * WPT, PREM)],
                        idx_v.at[pl.ds(0, PREM)])
        theta_rows(PFULL * WPT, PREM)


def _sc_gather(words, h_path, ut, vt):
    mesh = plsc.VectorSubcoreMesh(core_axis_name="c", subcore_axis_name="s")
    f = pl.kernel(
        _sc_body,
        out_type=(
            jax.ShapeDtypeStruct((NTILES_W, EMB), jnp.float32),
            jax.ShapeDtypeStruct((PATH, EMB), jnp.float32),
        ),
        mesh=mesh,
        scratch_types=[
            pltpu.VMEM((L,), jnp.int32),
            pltpu.VMEM((WPT, EMB, LANES), jnp.float32),
            pltpu.VMEM((EMB,), jnp.float32),
            pltpu.SemaphoreType.DMA,
        ],
        compiler_params=pltpu.CompilerParams(needs_layout_passes=False),
    )
    return f(ut, vt, words, h_path)


def _tc_body(partials_ref, theta_ref, hcode_ref, out_ref):
    xw = jnp.sum(partials_ref[...], axis=0, keepdims=True)
    t = jnp.sum(theta_ref[...] * xw, axis=1)
    z = jax.nn.sigmoid(t)
    hc = hcode_ref[...]
    loss = jnp.log(z) * hc + jnp.log(1.0 - z) * (1.0 - hc)
    out_ref[...] = jnp.sum(loss).reshape(1, 1)


def _tc_finish(partials, theta, h_code):
    return pl.pallas_call(
        _tc_body,
        out_shape=jax.ShapeDtypeStruct((1, 1), jnp.float32),
    )(partials, theta, h_code)


def kernel(words, h_code, h_path, u_emb, v_emb):
    words = words.astype(jnp.int32)
    h_path = h_path.astype(jnp.int32)
    partials, theta = _sc_gather(words, h_path, u_emb.T, v_emb.T)
    return _tc_finish(partials, theta, h_code)

# --- scband reference (transcript-rebuilt; emitter-appended) ---
"""Pipeline reference for scband-hier-soft-cbow-48619029790894 (READ-ONLY COPY).

The authoritative reference and input builder live on the scoring server;
editing this copy changes nothing except your own understanding.
"""

import jax, jax.numpy as jnp
import numpy as np

NWORDS = 1000000
HIER_NODES = 999999
EMB = 64
WINDOW = 200
PATH = 20

def _xavier(key, shape):
    fan_in, fan_out = shape[1], shape[0]
    std = float(np.sqrt(2.0 / (fan_in + fan_out)))
    return jax.random.normal(key, shape, dtype=jnp.float32) * std

def setup_inputs(seed: int = 0) -> dict:
    key = jax.random.key(seed)
    k1, k2, k3, k4, k5 = jax.random.split(key, 5)
    words = jax.random.randint(k1, (WINDOW,), 0, NWORDS, dtype=jnp.int64)
    h_code = jax.random.uniform(k2, (PATH,), dtype=jnp.float32)
    h_path = jax.random.randint(k3, (PATH,), 0, HIER_NODES, dtype=jnp.int64)
    u_emb = _xavier(k4, (NWORDS, EMB))
    v_emb = _xavier(k5, (HIER_NODES, EMB))
    return {"words": words, "h_code": h_code, "h_path": h_path, "u_emb": u_emb, "v_emb": v_emb}

def reference(words, h_code, h_path, u_emb, v_emb):
    # embedding lookup of context words (SparseCore gather)
    embs = jnp.take(u_emb, words, axis=0)            # [W, EMB]
    xw = jnp.sum(embs, axis=0).reshape(1, -1)         # [1, EMB]
    theta = jnp.take(v_emb, h_path, axis=0).T         # [EMB, P]
    hcode = h_code.reshape(-1, 1)                     # [P, 1]
    z = jax.nn.sigmoid(jnp.matmul(xw, theta))         # [1, P]
    out = jnp.matmul(jnp.log(z), hcode) + jnp.matmul(jnp.log(1.0 - z), 1.0 - hcode)
    return out                                        # [1, 1]

if __name__ == "__main__":
    import jax
    _d = setup_inputs()
    print(jax.jit(kernel)(*tuple(_d.values())))

</pallas_src>

<mosaic_0001>
#map = affine_map<(d0, d1) -> (0, 0)>
#map1 = affine_map<(d0, d1) -> (0)>
module attributes {stable_mosaic.version = 14 : i64} {
  func.func @_sc_body(%arg0: i32, %arg1: i32, %arg2: memref<64x1000000xf32, #tpu.memory_space<hbm>>, %arg3: memref<64x999999xf32, #tpu.memory_space<hbm>>, %arg4: memref<200xi32, #tpu.memory_space<hbm>>, %arg5: memref<20xi32, #tpu.memory_space<hbm>>, %arg6: memref<25x64xf32, #tpu.memory_space<hbm>>, %arg7: memref<20x64xf32, #tpu.memory_space<hbm>>, %arg8: memref<16xi32, #tpu.memory_space<vmem>>, %arg9: memref<8x64x128xf32, #tpu.memory_space<vmem>>, %arg10: memref<64xf32, #tpu.memory_space<vmem>>, %arg11: memref<!tpu.dma_semaphore, #tpu.memory_space<semaphore_mem>>) attributes {dimension_semantics = [#tpu.dimension_semantics<core_parallel>, #tpu.dimension_semantics<subcore_parallel>], iteration_bounds = array<i64: 2, 16>, scalar_prefetch = 0 : i64, scratch_operands = 4 : i64, tpu.core_type = #tpu.core_type<sc_vector_subcore>, window_params = [{transform_indices = #map}, {transform_indices = #map}, {transform_indices = #map1}, {transform_indices = #map1}, {transform_indices = #map}, {transform_indices = #map}]} {
    %mul3A = arith.constant 2 : i32
    %mul3A_0 = arith.muli %arg1, %mul3A : i32
    %add3A = arith.addi %mul3A_0, %arg0 : i32
    %iota3A = tpu.iota {dimensions = array<i32: 0>} : vector<16xi32>
    %lt3A = arith.constant 25 : i32
    %lt3A_1 = arith.cmpi slt, %add3A, %lt3A : i32
    %convert_element_type3A = arith.extui %lt3A_1 : i1 to i32
    %cond3A = arith.constant 0 : i32
    %cond3A_2 = arith.cmpi ne, %convert_element_type3A, %cond3A : i32
    scf.if %cond3A_2 {
      %mul3A_13 = arith.constant 8 : i32
      %mul3A_14 = arith.muli %add3A, %mul3A_13 : i32
      %multiple_of3A = tpu.assume_multiple %mul3A_14, 8 : i32
      "tpu.region"() ({
        %run_scoped3A = tpu.sem_alloc : memref<!tpu.dma_semaphore, #tpu.memory_space<semaphore_mem>>
        %dma_start3A = arith.constant 0 : i32
        %dma_start3A_90 = tpu.memref_slice %arg8[%dma_start3A] : memref<16xi32, #tpu.memory_space<vmem>> -> memref<8xi32, #tpu.memory_space<vmem>>
        %dma_start3A_91 = tpu.memref_slice %arg4[%multiple_of3A] : memref<200xi32, #tpu.memory_space<hbm>> -> memref<8xi32, #tpu.memory_space<hbm>>
        %dma_start3A_92 = arith.constant 0 : i32
        %dma_start3A_93 = tpu.memref_slice %arg8[%dma_start3A_92] : memref<16xi32, #tpu.memory_space<vmem>> -> memref<8xi32, #tpu.memory_space<vmem>>
        %dma_start3A_94 = tpu.memref_slice %arg4[%multiple_of3A] : memref<200xi32, #tpu.memory_space<hbm>> -> memref<8xi32, #tpu.memory_space<hbm>>
        tpu.enqueue_dma source(%dma_start3A_94 : memref<8xi32, #tpu.memory_space<hbm>>) target(%dma_start3A_93 : memref<8xi32, #tpu.memory_space<vmem>>) target_semaphore(%run_scoped3A : memref<!tpu.dma_semaphore, #tpu.memory_space<semaphore_mem>>)
        %dma_wait3A = arith.constant 0 : i32
        %dma_wait3A_95 = tpu.memref_slice %arg8[%dma_wait3A] : memref<16xi32, #tpu.memory_space<vmem>> -> memref<8xi32, #tpu.memory_space<vmem>>
        %dma_wait3A_96 = tpu.memref_slice %arg4[%multiple_of3A] : memref<200xi32, #tpu.memory_space<hbm>> -> memref<8xi32, #tpu.memory_space<hbm>>
        %dma_wait3A_97 = arith.constant 0 : i32
        %dma_wait3A_98 = tpu.memref_slice %arg8[%dma_wait3A_97] : memref<16xi32, #tpu.memory_space<vmem>> -> memref<8xi32, #tpu.memory_space<vmem>>
        %dma_wait3A_99 = tpu.memref_slice %arg4[%multiple_of3A] : memref<200xi32, #tpu.memory_space<hbm>> -> memref<8xi32, #tpu.memory_space<hbm>>
        tpu.wait_dma2 semaphore(%run_scoped3A : memref<!tpu.dma_semaphore, #tpu.memory_space<semaphore_mem>>) src(%dma_wait3A_99 : memref<8xi32, #tpu.memory_space<hbm>>) dst(%dma_wait3A_98 : memref<8xi32, #tpu.memory_space<vmem>>)
        tpu.yield
      }) : () -> ()
      %get3A = arith.constant 0 : index
      %get3A_15 = tpu.vector_load %arg8[%get3A] {strides = array<i32>} : memref<16xi32, #tpu.memory_space<vmem>>, vector<16xi32>,
      %jit3A = arith.constant 128 : i32
      %div3A = vector.broadcast %jit3A : i32 to vector<16xi32>
      %div3A_16 = arith.divsi %get3A_15, %div3A : vector<16xi32>
      %sign3A = arith.constant 0 : i32
      %sign3A_17 = vector.broadcast %sign3A : i32 to vector<16xi32>
      %sign3A_18 = arith.cmpi sgt, %get3A_15, %sign3A_17 : vector<16xi32>
      %sign3A_19 = arith.extui %sign3A_18 : vector<16xi1> to vector<16xi32>
      %sign3A_20 = arith.constant 0 : i32
      %sign3A_21 = vector.broadcast %sign3A_20 : i32 to vector<16xi32>
      %sign3A_22 = arith.cmpi slt, %get3A_15, %sign3A_21 : vector<16xi32>
      %sign3A_23 = arith.extui %sign3A_22 : vector<16xi1> to vector<16xi32>
      %sign3A_24 = arith.subi %sign3A_19, %sign3A_23 : vector<16xi32>
      %sign3A_25 = arith.constant 0 : i32
      %sign3A_26 = arith.cmpi sgt, %jit3A, %sign3A_25 : i32
      %sign3A_27 = arith.extui %sign3A_26 : i1 to i32
      %sign3A_28 = arith.constant 0 : i32
      %sign3A_29 = arith.cmpi slt, %jit3A, %sign3A_28 : i32
      %sign3A_30 = arith.extui %sign3A_29 : i1 to i32
      %sign3A_31 = arith.subi %sign3A_27, %sign3A_30 : i32
      %ne3A = vector.broadcast %sign3A_31 : i32 to vector<16xi32>
      %ne3A_32 = arith.cmpi ne, %sign3A_24, %ne3A : vector<16xi32>
      %rem3A = vector.broadcast %jit3A : i32 to vector<16xi32>
      %rem3A_33 = arith.remsi %get3A_15, %rem3A : vector<16xi32>
      %ne3A_34 = arith.constant 0 : i32
      %ne3A_35 = vector.broadcast %ne3A_34 : i32 to vector<16xi32>
      %ne3A_36 = arith.cmpi ne, %rem3A_33, %ne3A_35 : vector<16xi32>
      %and3A_37 = arith.andi %ne3A_32, %ne3A_36 : vector<16xi1>
      %sub3A = arith.constant 1 : i32
      %sub3A_38 = vector.broadcast %sub3A : i32 to vector<16xi32>
      %sub3A_39 = arith.subi %div3A_16, %sub3A_38 : vector<16xi32>
      %select_n3A = arith.select %and3A_37, %sub3A_39, %div3A_16 : vector<16xi1>, vector<16xi32>
      %mul3A_40 = arith.constant 128 : i32
      %mul3A_41 = vector.broadcast %mul3A_40 : i32 to vector<16xi32>
      %mul3A_42 = arith.muli %select_n3A, %mul3A_41 : vector<16xi32>
      %jit3A_43 = arith.constant 128 : i32
      %eq3A_44 = arith.constant 0 : i32
      %eq3A_45 = arith.cmpi eq, %jit3A_43, %eq3A_44 : i32
      %jit3A_46 = arith.constant 1 : i32
      %select_n3A_47 = arith.select %eq3A_45, %jit3A_46, %jit3A_43 : i32
      %rem3A_48 = vector.broadcast %select_n3A_47 : i32 to vector<16xi32>
      %rem3A_49 = arith.remsi %get3A_15, %rem3A_48 : vector<16xi32>
      %ne3A_50 = arith.constant 0 : i32
      %ne3A_51 = vector.broadcast %ne3A_50 : i32 to vector<16xi32>
      %ne3A_52 = arith.cmpi ne, %rem3A_49, %ne3A_51 : vector<16xi32>
      %lt3A_53 = arith.constant 0 : i32
      %lt3A_54 = vector.broadcast %lt3A_53 : i32 to vector<16xi32>
      %lt3A_55 = arith.cmpi slt, %rem3A_49, %lt3A_54 : vector<16xi32>
      %lt3A_56 = arith.constant 0 : i32
      %lt3A_57 = arith.cmpi slt, %select_n3A_47, %lt3A_56 : i32
      %ne3A_58 = vector.broadcast %lt3A_57 : i1 to vector<16xi1>
      %ne3A_59 = vector.broadcast %ne3A_58 : vector<16xi1> to vector<16xi1>
      %ne3A_60 = arith.xori %lt3A_55, %ne3A_59 : vector<16xi1>
      %and3A_61 = arith.andi %ne3A_60, %ne3A_52 : vector<16xi1>
      %add3A_62 = vector.broadcast %select_n3A_47 : i32 to vector<16xi32>
      %add3A_63 = arith.addi %rem3A_49, %add3A_62 : vector<16xi32>
      %select_n3A_64 = arith.select %and3A_61, %add3A_63, %rem3A_49 : vector<16xi1>, vector<16xi32>
      %scan3A = arith.constant 0 : i32
      %scan3A_65 = arith.constant 0 : i32
      %scan3A_66 = arith.constant 8 : i32
      %scan3A_67 = arith.addi %scan3A_65, %scan3A_66 : i32
      %scan3A_68 = arith.constant 1 : i32
      scf.for %scan3A_90 = %scan3A_65 to %scan3A_67 step %scan3A_68  : i32 {
        %broadcast_in_dim3A_91 = vector.broadcast %scan3A_90 : i32 to vector<16xi32>
        %lt3A_92 = arith.constant 0 : i32
        %lt3A_93 = vector.broadcast %lt3A_92 : i32 to vector<16xi32>
        %lt3A_94 = arith.cmpi slt, %broadcast_in_dim3A_91, %lt3A_93 : vector<16xi32>
        %add3A_95 = arith.constant 16 : i32
        %add3A_96 = vector.broadcast %add3A_95 : i32 to vector<16xi32>
        %add3A_97 = arith.addi %broadcast_in_dim3A_91, %add3A_96 : vector<16xi32>
        %select_n3A_98 = arith.select %lt3A_94, %add3A_97, %broadcast_in_dim3A_91 : vector<16xi1>, vector<16xi32>
        %broadcast_in_dim3A_99 = vector.shape_cast %select_n3A_98 : vector<16xi32> to vector<16x1xi32>
        %gather3A = vector.shape_cast %broadcast_in_dim3A_99 : vector<16x1xi32> to vector<16xi32>
        %gather3A_100 = tpu.dynamic_gather %mul3A_42[%gather3A] in [0] : vector<16xi32>, vector<16xi32> -> vector<16xi32>
        %slice3A = vector.extract_strided_slice %gather3A_100 {offsets = [0], sizes = [1], strides = [1]} : vector<16xi32> to vector<1xi32>
        %squeeze3A = vector.extract %slice3A[0] : i32 from vector<1xi32>
        %multiple_of3A_101 = tpu.assume_multiple %squeeze3A, 128 : i32
        %dma_start3A = arith.constant 0 : i32
        %dma_start3A_102 = arith.constant 0 : i32
        %dma_start3A_103 = tpu.memref_slice %arg9[%scan3A_90, %dma_start3A, %dma_start3A_102] : memref<8x64x128xf32, #tpu.memory_space<vmem>> -> memref<1x64x128xf32, #tpu.memory_space<vmem>>
        %dma_start3A_104 = tpu.memref_squeeze %dma_start3A_103 : memref<1x64x128xf32, #tpu.memory_space<vmem>> -> memref<64x128xf32, #tpu.memory_space<vmem>>
        %dma_start3A_105 = arith.constant 0 : i32
        %dma_start3A_106 = tpu.memref_slice %arg2[%dma_start3A_105, %multiple_of3A_101] : memref<64x1000000xf32, #tpu.memory_space<hbm>> -> memref<64x128xf32, #tpu.memory_space<hbm>>
        %dma_start3A_107 = arith.constant 0 : i32
        %dma_start3A_108 = arith.constant 0 : i32
        %dma_start3A_109 = tpu.memref_slice %arg9[%scan3A_90, %dma_start3A_107, %dma_start3A_108] : memref<8x64x128xf32, #tpu.memory_space<vmem>> -> memref<1x64x128xf32, #tpu.memory_space<vmem>>
        %dma_start3A_110 = tpu.memref_squeeze %dma_start3A_109 : memref<1x64x128xf32, #tpu.memory_space<vmem>> -> memref<64x128xf32, #tpu.memory_space<vmem>>
        %dma_start3A_111 = arith.constant 0 : i32
        %dma_start3A_112 = tpu.memref_slice %arg2[%dma_start3A_111, %multiple_of3A_101] : memref<64x1000000xf32, #tpu.memory_space<hbm>> -> memref<64x128xf32, #tpu.memory_space<hbm>>
        tpu.enqueue_dma source(%dma_start3A_112 : memref<64x128xf32, #tpu.memory_space<hbm>>) target(%dma_start3A_110 : memref<64x128xf32, #tpu.memory_space<vmem>>) target_semaphore(%arg11 : memref<!tpu.dma_semaphore, #tpu.memory_space<semaphore_mem>>)
      }
      %scan3A_69 = arith.constant 8 : i32
      %broadcast_in_dim3A = arith.constant 0.000000e+00 : f32
      %broadcast_in_dim3A_70 = vector.broadcast %broadcast_in_dim3A : f32 to vector<16xf32>
      %broadcast_in_dim3A_71 = arith.constant 0.000000e+00 : f32
      %broadcast_in_dim3A_72 = vector.broadcast %broadcast_in_dim3A_71 : f32 to vector<16xf32>
      %broadcast_in_dim3A_73 = arith.constant 0.000000e+00 : f32
      %broadcast_in_dim3A_74 = vector.broadcast %broadcast_in_dim3A_73 : f32 to vector<16xf32>
      %broadcast_in_dim3A_75 = arith.constant 0.000000e+00 : f32
      %broadcast_in_dim3A_76 = vector.broadcast %broadcast_in_dim3A_75 : f32 to vector<16xf32>
      %scan3A_77 = arith.constant 0 : i32
      %scan3A_78 = arith.constant 8 : i32
      %scan3A_79 = arith.addi %scan3A_77, %scan3A_78 : i32
      %scan3A_80 = arith.constant 1 : i32
      %scan3A_81:4 = scf.for %scan3A_90 = %scan3A_77 to %scan3A_79 step %scan3A_80 iter_args(%scan3A_91 = %broadcast_in_dim3A_70, %scan3A_92 = %broadcast_in_dim3A_72, %scan3A_93 = %broadcast_in_dim3A_74, %scan3A_94 = %broadcast_in_dim3A_76) -> (vector<16xf32>, vector<16xf32>, vector<16xf32>, vector<16xf32>)  : i32 {
        %dma_wait3A = arith.constant 0 : i32
        %dma_wait3A_95 = arith.constant 0 : i32
        %dma_wait3A_96 = tpu.memref_slice %arg9[%scan3A_90, %dma_wait3A, %dma_wait3A_95] : memref<8x64x128xf32, #tpu.memory_space<vmem>> -> memref<1x64x128xf32, #tpu.memory_space<vmem>>
        %dma_wait3A_97 = tpu.memref_squeeze %dma_wait3A_96 : memref<1x64x128xf32, #tpu.memory_space<vmem>> -> memref<64x128xf32, #tpu.memory_space<vmem>>
        %dma_wait3A_98 = arith.constant 0 : i32
        %dma_wait3A_99 = arith.constant 0 : i32
        %dma_wait3A_100 = tpu.memref_slice %arg2[%dma_wait3A_98, %dma_wait3A_99] : memref<64x1000000xf32, #tpu.memory_space<hbm>> -> memref<64x128xf32, #tpu.memory_space<hbm>>
        %dma_wait3A_101 = arith.constant 0 : i32
        %dma_wait3A_102 = arith.constant 0 : i32
        %dma_wait3A_103 = tpu.memref_slice %arg9[%scan3A_90, %dma_wait3A_101, %dma_wait3A_102] : memref<8x64x128xf32, #tpu.memory_space<vmem>> -> memref<1x64x128xf32, #tpu.memory_space<vmem>>
        %dma_wait3A_104 = tpu.memref_squeeze %dma_wait3A_103 : memref<1x64x128xf32, #tpu.memory_space<vmem>> -> memref<64x128xf32, #tpu.memory_space<vmem>>
        %dma_wait3A_105 = arith.constant 0 : i32
        %dma_wait3A_106 = arith.constant 0 : i32
        %dma_wait3A_107 = tpu.memref_slice %arg2[%dma_wait3A_105, %dma_wait3A_106] : memref<64x1000000xf32, #tpu.memory_space<hbm>> -> memref<64x128xf32, #tpu.memory_space<hbm>>
        tpu.wait_dma2 semaphore(%arg11 : memref<!tpu.dma_semaphore, #tpu.memory_space<semaphore_mem>>) src(%dma_wait3A_107 : memref<64x128xf32, #tpu.memory_space<hbm>>) dst(%dma_wait3A_104 : memref<64x128xf32, #tpu.memory_space<vmem>>)
        %broadcast_in_dim3A_108 = vector.broadcast %scan3A_90 : i32 to vector<16xi32>
        %lt3A_109 = arith.constant 0 : i32
        %lt3A_110 = vector.broadcast %lt3A_109 : i32 to vector<16xi32>
        %lt3A_111 = arith.cmpi slt, %broadcast_in_dim3A_108, %lt3A_110 : vector<16xi32>
        %add3A_112 = arith.constant 16 : i32
        %add3A_113 = vector.broadcast %add3A_112 : i32 to vector<16xi32>
        %add3A_114 = arith.addi %broadcast_in_dim3A_108, %add3A_113 : vector<16xi32>
        %select_n3A_115 = arith.select %lt3A_111, %add3A_114, %broadcast_in_dim3A_108 : vector<16xi1>, vector<16xi32>
        %broadcast_in_dim3A_116 = vector.shape_cast %select_n3A_115 : vector<16xi32> to vector<16x1xi32>
        %gather3A = vector.shape_cast %broadcast_in_dim3A_116 : vector<16x1xi32> to vector<16xi32>
        %gather3A_117 = tpu.dynamic_gather %select_n3A_64[%gather3A] in [0] : vector<16xi32>, vector<16xi32> -> vector<16xi32>
        %add3A_118 = arith.constant 0 : i32
        %add3A_119 = vector.broadcast %add3A_118 : i32 to vector<16xi32>
        %add3A_120 = arith.addi %iota3A, %add3A_119 : vector<16xi32>
        %gather3A_121 = tpu.vector_load_idx %arg9[%broadcast_in_dim3A_108, %add3A_120, %gather3A_117] : memref<8x64x128xf32, #tpu.memory_space<vmem>>[vector<16xi32>, vector<16xi32>, vector<16xi32>], vector<16xf32>,
        %add3A_122 = arith.constant 16 : i32
        %add3A_123 = vector.broadcast %add3A_122 : i32 to vector<16xi32>
        %add3A_124 = arith.addi %iota3A, %add3A_123 : vector<16xi32>
        %gather3A_125 = tpu.vector_load_idx %arg9[%broadcast_in_dim3A_108, %add3A_124, %gather3A_117] : memref<8x64x128xf32, #tpu.memory_space<vmem>>[vector<16xi32>, vector<16xi32>, vector<16xi32>], vector<16xf32>,
        %add3A_126 = arith.constant 32 : i32
        %add3A_127 = vector.broadcast %add3A_126 : i32 to vector<16xi32>
        %add3A_128 = arith.addi %iota3A, %add3A_127 : vector<16xi32>
        %gather3A_129 = tpu.vector_load_idx %arg9[%broadcast_in_dim3A_108, %add3A_128, %gather3A_117] : memref<8x64x128xf32, #tpu.memory_space<vmem>>[vector<16xi32>, vector<16xi32>, vector<16xi32>], vector<16xf32>,
        %add3A_130 = arith.constant 48 : i32
        %add3A_131 = vector.broadcast %add3A_130 : i32 to vector<16xi32>
        %add3A_132 = arith.addi %iota3A, %add3A_131 : vector<16xi32>
        %gather3A_133 = tpu.vector_load_idx %arg9[%broadcast_in_dim3A_108, %add3A_132, %gather3A_117] : memref<8x64x128xf32, #tpu.memory_space<vmem>>[vector<16xi32>, vector<16xi32>, vector<16xi32>], vector<16xf32>,
        %add3A_134 = arith.addf %scan3A_91, %gather3A_121 : vector<16xf32>
        %add3A_135 = arith.addf %scan3A_92, %gather3A_125 : vector<16xf32>
        %add3A_136 = arith.addf %scan3A_93, %gather3A_129 : vector<16xf32>
        %add3A_137 = arith.addf %scan3A_94, %gather3A_133 : vector<16xf32>
        scf.yield %add3A_134, %add3A_135, %add3A_136, %add3A_137 : vector<16xf32>, vector<16xf32>, vector<16xf32>, vector<16xf32>
      }
      %scan3A_82 = arith.constant 8 : i32
      %swap3A = arith.constant 0 : index
      %swap3A_83 = tpu.vector_load %arg10[%swap3A] {strides = array<i32>} : memref<64xf32, #tpu.memory_space<vmem>>, vector<16xf32>,
      tpu.vector_store %arg10[%swap3A], %scan3A_81#0 {strides = array<i32>} : memref<64xf32, #tpu.memory_space<vmem>>, vector<16xf32>,
      %swap3A_84 = arith.constant 16 : index
      %swap3A_85 = tpu.vector_load %arg10[%swap3A_84] {strides = array<i32>} : memref<64xf32, #tpu.memory_space<vmem>>, vector<16xf32>,
      tpu.vector_store %arg10[%swap3A_84], %scan3A_81#1 {strides = array<i32>} : memref<64xf32, #tpu.memory_space<vmem>>, vector<16xf32>,
      %swap3A_86 = arith.constant 32 : index
      %swap3A_87 = tpu.vector_load %arg10[%swap3A_86] {strides = array<i32>} : memref<64xf32, #tpu.memory_space<vmem>>, vector<16xf32>,
      tpu.vector_store %arg10[%swap3A_86], %scan3A_81#2 {strides = array<i32>} : memref<64xf32, #tpu.memory_space<vmem>>, vector<16xf32>,
      %swap3A_88 = arith.constant 48 : index
      %swap3A_89 = tpu.vector_load %arg10[%swap3A_88] {strides = array<i32>} : memref<64xf32, #tpu.memory_space<vmem>>, vector<16xf32>,
      tpu.vector_store %arg10[%swap3A_88], %scan3A_81#3 {strides = array<i32>} : memref<64xf32, #tpu.memory_space<vmem>>, vector<16xf32>,
      "tpu.region"() ({
        %run_scoped3A = tpu.sem_alloc : memref<!tpu.dma_semaphore, #tpu.memory_space<semaphore_mem>>
        %dma_start3A = arith.constant 0 : i32
        %dma_start3A_90 = tpu.memref_slice %arg6[%add3A, %dma_start3A] : memref<25x64xf32, #tpu.memory_space<hbm>> -> memref<1x64xf32, #tpu.memory_space<hbm>>
        %dma_start3A_91 = tpu.memref_squeeze %dma_start3A_90 : memref<1x64xf32, #tpu.memory_space<hbm>> -> memref<64xf32, #tpu.memory_space<hbm>>
        %dma_start3A_92 = arith.constant 0 : i32
        %dma_start3A_93 = tpu.memref_slice %arg6[%add3A, %dma_start3A_92] : memref<25x64xf32, #tpu.memory_space<hbm>> -> memref<1x64xf32, #tpu.memory_space<hbm>>
        %dma_start3A_94 = tpu.memref_squeeze %dma_start3A_93 : memref<1x64xf32, #tpu.memory_space<hbm>> -> memref<64xf32, #tpu.memory_space<hbm>>
        tpu.enqueue_dma source(%arg10 : memref<64xf32, #tpu.memory_space<vmem>>) target(%dma_start3A_94 : memref<64xf32, #tpu.memory_space<hbm>>) target_semaphore(%run_scoped3A : memref<!tpu.dma_semaphore, #tpu.memory_space<semaphore_mem>>)
        %dma_wait3A = arith.constant 0 : i32
        %dma_wait3A_95 = tpu.memref_slice %arg6[%add3A, %dma_wait3A] : memref<25x64xf32, #tpu.memory_space<hbm>> -> memref<1x64xf32, #tpu.memory_space<hbm>>
        %dma_wait3A_96 = tpu.memref_squeeze %dma_wait3A_95 : memref<1x64xf32, #tpu.memory_space<hbm>> -> memref<64xf32, #tpu.memory_space<hbm>>
        %dma_wait3A_97 = arith.constant 0 : i32
        %dma_wait3A_98 = tpu.memref_slice %arg6[%add3A, %dma_wait3A_97] : memref<25x64xf32, #tpu.memory_space<hbm>> -> memref<1x64xf32, #tpu.memory_space<hbm>>
        %dma_wait3A_99 = tpu.memref_squeeze %dma_wait3A_98 : memref<1x64xf32, #tpu.memory_space<hbm>> -> memref<64xf32, #tpu.memory_space<hbm>>
        tpu.wait_dma2 semaphore(%run_scoped3A : memref<!tpu.dma_semaphore, #tpu.memory_space<semaphore_mem>>) src(%arg10 : memref<64xf32, #tpu.memory_space<vmem>>) dst(%dma_wait3A_99 : memref<64xf32, #tpu.memory_space<hbm>>)
        tpu.yield
      }) : () -> ()
    } else {
    }
    %ge3A = arith.constant 25 : i32
    %ge3A_3 = arith.cmpi sge, %add3A, %ge3A : i32
    %lt3A_4 = arith.constant 27 : i32
    %lt3A_5 = arith.cmpi slt, %add3A, %lt3A_4 : i32
    %and3A = arith.andi %ge3A_3, %lt3A_5 : i1
    %convert_element_type3A_6 = arith.extui %and3A : i1 to i32
    %cond3A_7 = arith.constant 0 : i32
    %cond3A_8 = arith.cmpi ne, %convert_element_type3A_6, %cond3A_7 : i32
    scf.if %cond3A_8 {
      %sub3A = arith.constant 25 : i32
      %sub3A_13 = arith.subi %add3A, %sub3A : i32
      %mul3A_14 = arith.constant 8 : i32
      %mul3A_15 = arith.muli %sub3A_13, %mul3A_14 : i32
      %multiple_of3A = tpu.assume_multiple %mul3A_15, 8 : i32
      "tpu.region"() ({
        %run_scoped3A = tpu.sem_alloc : memref<!tpu.dma_semaphore, #tpu.memory_space<semaphore_mem>>
        %dma_start3A = arith.constant 0 : i32
        %dma_start3A_78 = tpu.memref_slice %arg8[%dma_start3A] : memref<16xi32, #tpu.memory_space<vmem>> -> memref<8xi32, #tpu.memory_space<vmem>>
        %dma_start3A_79 = tpu.memref_slice %arg5[%multiple_of3A] : memref<20xi32, #tpu.memory_space<hbm>> -> memref<8xi32, #tpu.memory_space<hbm>>
        %dma_start3A_80 = arith.constant 0 : i32
        %dma_start3A_81 = tpu.memref_slice %arg8[%dma_start3A_80] : memref<16xi32, #tpu.memory_space<vmem>> -> memref<8xi32, #tpu.memory_space<vmem>>
        %dma_start3A_82 = tpu.memref_slice %arg5[%multiple_of3A] : memref<20xi32, #tpu.memory_space<hbm>> -> memref<8xi32, #tpu.memory_space<hbm>>
        tpu.enqueue_dma source(%dma_start3A_82 : memref<8xi32, #tpu.memory_space<hbm>>) target(%dma_start3A_81 : memref<8xi32, #tpu.memory_space<vmem>>) target_semaphore(%run_scoped3A : memref<!tpu.dma_semaphore, #tpu.memory_space<semaphore_mem>>)
        %dma_wait3A = arith.constant 0 : i32
        %dma_wait3A_83 = tpu.memref_slice %arg8[%dma_wait3A] : memref<16xi32, #tpu.memory_space<vmem>> -> memref<8xi32, #tpu.memory_space<vmem>>
        %dma_wait3A_84 = tpu.memref_slice %arg5[%multiple_of3A] : memref<20xi32, #tpu.memory_space<hbm>> -> memref<8xi32, #tpu.memory_space<hbm>>
        %dma_wait3A_85 = arith.constant 0 : i32
        %dma_wait3A_86 = tpu.memref_slice %arg8[%dma_wait3A_85] : memref<16xi32, #tpu.memory_space<vmem>> -> memref<8xi32, #tpu.memory_space<vmem>>
        %dma_wait3A_87 = tpu.memref_slice %arg5[%multiple_of3A] : memref<20xi32, #tpu.memory_space<hbm>> -> memref<8xi32, #tpu.memory_space<hbm>>
        tpu.wait_dma2 semaphore(%run_scoped3A : memref<!tpu.dma_semaphore, #tpu.memory_space<semaphore_mem>>) src(%dma_wait3A_87 : memref<8xi32, #tpu.memory_space<hbm>>) dst(%dma_wait3A_86 : memref<8xi32, #tpu.memory_space<vmem>>)
        tpu.yield
      }) : () -> ()
      %get3A = arith.constant 0 : index
      %get3A_16 = tpu.vector_load %arg8[%get3A] {strides = array<i32>} : memref<16xi32, #tpu.memory_space<vmem>>, vector<16xi32>,
      %jit3A = arith.constant 128 : i32
      %div3A = vector.broadcast %jit3A : i32 to vector<16xi32>
      %div3A_17 = arith.divsi %get3A_16, %div3A : vector<16xi32>
      %sign3A = arith.constant 0 : i32
      %sign3A_18 = vector.broadcast %sign3A : i32 to vector<16xi32>
      %sign3A_19 = arith.cmpi sgt, %get3A_16, %sign3A_18 : vector<16xi32>
      %sign3A_20 = arith.extui %sign3A_19 : vector<16xi1> to vector<16xi32>
      %sign3A_21 = arith.constant 0 : i32
      %sign3A_22 = vector.broadcast %sign3A_21 : i32 to vector<16xi32>
      %sign3A_23 = arith.cmpi slt, %get3A_16, %sign3A_22 : vector<16xi32>
      %sign3A_24 = arith.extui %sign3A_23 : vector<16xi1> to vector<16xi32>
      %sign3A_25 = arith.subi %sign3A_20, %sign3A_24 : vector<16xi32>
      %sign3A_26 = arith.constant 0 : i32
      %sign3A_27 = arith.cmpi sgt, %jit3A, %sign3A_26 : i32
      %sign3A_28 = arith.extui %sign3A_27 : i1 to i32
      %sign3A_29 = arith.constant 0 : i32
      %sign3A_30 = arith.cmpi slt, %jit3A, %sign3A_29 : i32
      %sign3A_31 = arith.extui %sign3A_30 : i1 to i32
      %sign3A_32 = arith.subi %sign3A_28, %sign3A_31 : i32
      %ne3A = vector.broadcast %sign3A_32 : i32 to vector<16xi32>
      %ne3A_33 = arith.cmpi ne, %sign3A_25, %ne3A : vector<16xi32>
      %rem3A = vector.broadcast %jit3A : i32 to vector<16xi32>
      %rem3A_34 = arith.remsi %get3A_16, %rem3A : vector<16xi32>
      %ne3A_35 = arith.constant 0 : i32
      %ne3A_36 = vector.broadcast %ne3A_35 : i32 to vector<16xi32>
      %ne3A_37 = arith.cmpi ne, %rem3A_34, %ne3A_36 : vector<16xi32>
      %and3A_38 = arith.andi %ne3A_33, %ne3A_37 : vector<16xi1>
      %sub3A_39 = arith.constant 1 : i32
      %sub3A_40 = vector.broadcast %sub3A_39 : i32 to vector<16xi32>
      %sub3A_41 = arith.subi %div3A_17, %sub3A_40 : vector<16xi32>
      %select_n3A = arith.select %and3A_38, %sub3A_41, %div3A_17 : vector<16xi1>, vector<16xi32>
      %mul3A_42 = arith.constant 128 : i32
      %mul3A_43 = vector.broadcast %mul3A_42 : i32 to vector<16xi32>
      %mul3A_44 = arith.muli %select_n3A, %mul3A_43 : vector<16xi32>
      %jit3A_45 = arith.constant 128 : i32
      %eq3A_46 = arith.constant 0 : i32
      %eq3A_47 = arith.cmpi eq, %jit3A_45, %eq3A_46 : i32
      %jit3A_48 = arith.constant 1 : i32
      %select_n3A_49 = arith.select %eq3A_47, %jit3A_48, %jit3A_45 : i32
      %rem3A_50 = vector.broadcast %select_n3A_49 : i32 to vector<16xi32>
      %rem3A_51 = arith.remsi %get3A_16, %rem3A_50 : vector<16xi32>
      %ne3A_52 = arith.constant 0 : i32
      %ne3A_53 = vector.broadcast %ne3A_52 : i32 to vector<16xi32>
      %ne3A_54 = arith.cmpi ne, %rem3A_51, %ne3A_53 : vector<16xi32>
      %lt3A_55 = arith.constant 0 : i32
      %lt3A_56 = vector.broadcast %lt3A_55 : i32 to vector<16xi32>
      %lt3A_57 = arith.cmpi slt, %rem3A_51, %lt3A_56 : vector<16xi32>
      %lt3A_58 = arith.constant 0 : i32
      %lt3A_59 = arith.cmpi slt, %select_n3A_49, %lt3A_58 : i32
      %ne3A_60 = vector.broadcast %lt3A_59 : i1 to vector<16xi1>
      %ne3A_61 = vector.broadcast %ne3A_60 : vector<16xi1> to vector<16xi1>
      %ne3A_62 = arith.xori %lt3A_57, %ne3A_61 : vector<16xi1>
      %and3A_63 = arith.andi %ne3A_62, %ne3A_54 : vector<16xi1>
      %add3A_64 = vector.broadcast %select_n3A_49 : i32 to vector<16xi32>
      %add3A_65 = arith.addi %rem3A_51, %add3A_64 : vector<16xi32>
      %select_n3A_66 = arith.select %and3A_63, %add3A_65, %rem3A_51 : vector<16xi1>, vector<16xi32>
      %scan3A = arith.constant 0 : i32
      %scan3A_67 = arith.constant 0 : i32
      %scan3A_68 = arith.constant 8 : i32
      %scan3A_69 = arith.addi %scan3A_67, %scan3A_68 : i32
      %scan3A_70 = arith.constant 1 : i32
      scf.for %scan3A_78 = %scan3A_67 to %scan3A_69 step %scan3A_70  : i32 {
        %broadcast_in_dim3A = vector.broadcast %scan3A_78 : i32 to vector<16xi32>
        %lt3A_79 = arith.constant 0 : i32
        %lt3A_80 = vector.broadcast %lt3A_79 : i32 to vector<16xi32>
        %lt3A_81 = arith.cmpi slt, %broadcast_in_dim3A, %lt3A_80 : vector<16xi32>
        %add3A_82 = arith.constant 16 : i32
        %add3A_83 = vector.broadcast %add3A_82 : i32 to vector<16xi32>
        %add3A_84 = arith.addi %broadcast_in_dim3A, %add3A_83 : vector<16xi32>
        %select_n3A_85 = arith.select %lt3A_81, %add3A_84, %broadcast_in_dim3A : vector<16xi1>, vector<16xi32>
        %broadcast_in_dim3A_86 = vector.shape_cast %select_n3A_85 : vector<16xi32> to vector<16x1xi32>
        %gather3A = vector.shape_cast %broadcast_in_dim3A_86 : vector<16x1xi32> to vector<16xi32>
        %gather3A_87 = tpu.dynamic_gather %mul3A_44[%gather3A] in [0] : vector<16xi32>, vector<16xi32> -> vector<16xi32>
        %slice3A = vector.extract_strided_slice %gather3A_87 {offsets = [0], sizes = [1], strides = [1]} : vector<16xi32> to vector<1xi32>
        %squeeze3A = vector.extract %slice3A[0] : i32 from vector<1xi32>
        %multiple_of3A_88 = tpu.assume_multiple %squeeze3A, 128 : i32
        %dma_start3A = arith.constant 0 : i32
        %dma_start3A_89 = arith.constant 0 : i32
        %dma_start3A_90 = tpu.memref_slice %arg9[%scan3A_78, %dma_start3A, %dma_start3A_89] : memref<8x64x128xf32, #tpu.memory_space<vmem>> -> memref<1x64x128xf32, #tpu.memory_space<vmem>>
        %dma_start3A_91 = tpu.memref_squeeze %dma_start3A_90 : memref<1x64x128xf32, #tpu.memory_space<vmem>> -> memref<64x128xf32, #tpu.memory_space<vmem>>
        %dma_start3A_92 = arith.constant 0 : i32
        %dma_start3A_93 = tpu.memref_slice %arg3[%dma_start3A_92, %multiple_of3A_88] : memref<64x999999xf32, #tpu.memory_space<hbm>> -> memref<64x128xf32, #tpu.memory_space<hbm>>
        %dma_start3A_94 = arith.constant 0 : i32
        %dma_start3A_95 = arith.constant 0 : i32
        %dma_start3A_96 = tpu.memref_slice %arg9[%scan3A_78, %dma_start3A_94, %dma_start3A_95] : memref<8x64x128xf32, #tpu.memory_space<vmem>> -> memref<1x64x128xf32, #tpu.memory_space<vmem>>
        %dma_start3A_97 = tpu.memref_squeeze %dma_start3A_96 : memref<1x64x128xf32, #tpu.memory_space<vmem>> -> memref<64x128xf32, #tpu.memory_space<vmem>>
        %dma_start3A_98 = arith.constant 0 : i32
        %dma_start3A_99 = tpu.memref_slice %arg3[%dma_start3A_98, %multiple_of3A_88] : memref<64x999999xf32, #tpu.memory_space<hbm>> -> memref<64x128xf32, #tpu.memory_space<hbm>>
        tpu.enqueue_dma source(%dma_start3A_99 : memref<64x128xf32, #tpu.memory_space<hbm>>) target(%dma_start3A_97 : memref<64x128xf32, #tpu.memory_space<vmem>>) target_semaphore(%arg11 : memref<!tpu.dma_semaphore, #tpu.memory_space<semaphore_mem>>)
      }
      %scan3A_71 = arith.constant 8 : i32
      %scan3A_72 = arith.constant 0 : i32
      %scan3A_73 = arith.constant 0 : i32
      %scan3A_74 = arith.constant 8 : i32
      %scan3A_75 = arith.addi %scan3A_73, %scan3A_74 : i32
      %scan3A_76 = arith.constant 1 : i32
      scf.for %scan3A_78 = %scan3A_73 to %scan3A_75 step %scan3A_76  : i32 {
        %dma_wait3A = arith.constant 0 : i32
        %dma_wait3A_79 = arith.constant 0 : i32
        %dma_wait3A_80 = tpu.memref_slice %arg9[%scan3A_78, %dma_wait3A, %dma_wait3A_79] : memref<8x64x128xf32, #tpu.memory_space<vmem>> -> memref<1x64x128xf32, #tpu.memory_space<vmem>>
        %dma_wait3A_81 = tpu.memref_squeeze %dma_wait3A_80 : memref<1x64x128xf32, #tpu.memory_space<vmem>> -> memref<64x128xf32, #tpu.memory_space<vmem>>
        %dma_wait3A_82 = arith.constant 0 : i32
        %dma_wait3A_83 = arith.constant 0 : i32
        %dma_wait3A_84 = tpu.memref_slice %arg3[%dma_wait3A_82, %dma_wait3A_83] : memref<64x999999xf32, #tpu.memory_space<hbm>> -> memref<64x128xf32, #tpu.memory_space<hbm>>
        %dma_wait3A_85 = arith.constant 0 : i32
        %dma_wait3A_86 = arith.constant 0 : i32
        %dma_wait3A_87 = tpu.memref_slice %arg9[%scan3A_78, %dma_wait3A_85, %dma_wait3A_86] : memref<8x64x128xf32, #tpu.memory_space<vmem>> -> memref<1x64x128xf32, #tpu.memory_space<vmem>>
        %dma_wait3A_88 = tpu.memref_squeeze %dma_wait3A_87 : memref<1x64x128xf32, #tpu.memory_space<vmem>> -> memref<64x128xf32, #tpu.memory_space<vmem>>
        %dma_wait3A_89 = arith.constant 0 : i32
        %dma_wait3A_90 = arith.constant 0 : i32
        %dma_wait3A_91 = tpu.memref_slice %arg3[%dma_wait3A_89, %dma_wait3A_90] : memref<64x999999xf32, #tpu.memory_space<hbm>> -> memref<64x128xf32, #tpu.memory_space<hbm>>
        tpu.wait_dma2 semaphore(%arg11 : memref<!tpu.dma_semaphore, #tpu.memory_space<semaphore_mem>>) src(%dma_wait3A_91 : memref<64x128xf32, #tpu.memory_space<hbm>>) dst(%dma_wait3A_88 : memref<64x128xf32, #tpu.memory_space<vmem>>)
        %broadcast_in_dim3A = vector.broadcast %scan3A_78 : i32 to vector<16xi32>
        %lt3A_92 = arith.constant 0 : i32
        %lt3A_93 = vector.broadcast %lt3A_92 : i32 to vector<16xi32>
        %lt3A_94 = arith.cmpi slt, %broadcast_in_dim3A, %lt3A_93 : vector<16xi32>
        %add3A_95 = arith.constant 16 : i32
        %add3A_96 = vector.broadcast %add3A_95 : i32 to vector<16xi32>
        %add3A_97 = arith.addi %broadcast_in_dim3A, %add3A_96 : vector<16xi32>
        %select_n3A_98 = arith.select %lt3A_94, %add3A_97, %broadcast_in_dim3A : vector<16xi1>, vector<16xi32>
        %broadcast_in_dim3A_99 = vector.shape_cast %select_n3A_98 : vector<16xi32> to vector<16x1xi32>
        %gather3A = vector.shape_cast %broadcast_in_dim3A_99 : vector<16x1xi32> to vector<16xi32>
        %gather3A_100 = tpu.dynamic_gather %select_n3A_66[%gather3A] in [0] : vector<16xi32>, vector<16xi32> -> vector<16xi32>
        %add3A_101 = arith.constant 0 : i32
        %add3A_102 = vector.broadcast %add3A_101 : i32 to vector<16xi32>
        %add3A_103 = arith.addi %iota3A, %add3A_102 : vector<16xi32>
        %gather3A_104 = tpu.vector_load_idx %arg9[%broadcast_in_dim3A, %add3A_103, %gather3A_100] : memref<8x64x128xf32, #tpu.memory_space<vmem>>[vector<16xi32>, vector<16xi32>, vector<16xi32>], vector<16xf32>,
        %add3A_105 = arith.constant 16 : i32
        %add3A_106 = vector.broadcast %add3A_105 : i32 to vector<16xi32>
        %add3A_107 = arith.addi %iota3A, %add3A_106 : vector<16xi32>
        %gather3A_108 = tpu.vector_load_idx %arg9[%broadcast_in_dim3A, %add3A_107, %gather3A_100] : memref<8x64x128xf32, #tpu.memory_space<vmem>>[vector<16xi32>, vector<16xi32>, vector<16xi32>], vector<16xf32>,
        %add3A_109 = arith.constant 32 : i32
        %add3A_110 = vector.broadcast %add3A_109 : i32 to vector<16xi32>
        %add3A_111 = arith.addi %iota3A, %add3A_110 : vector<16xi32>
        %gather3A_112 = tpu.vector_load_idx %arg9[%broadcast_in_dim3A, %add3A_111, %gather3A_100] : memref<8x64x128xf32, #tpu.memory_space<vmem>>[vector<16xi32>, vector<16xi32>, vector<16xi32>], vector<16xf32>,
        %add3A_113 = arith.constant 48 : i32
        %add3A_114 = vector.broadcast %add3A_113 : i32 to vector<16xi32>
        %add3A_115 = arith.addi %iota3A, %add3A_114 : vector<16xi32>
        %gather3A_116 = tpu.vector_load_idx %arg9[%broadcast_in_dim3A, %add3A_115, %gather3A_100] : memref<8x64x128xf32, #tpu.memory_space<vmem>>[vector<16xi32>, vector<16xi32>, vector<16xi32>], vector<16xf32>,
        %swap3A = arith.constant 0 : index
        %swap3A_117 = tpu.vector_load %arg10[%swap3A] {strides = array<i32>} : memref<64xf32, #tpu.memory_space<vmem>>, vector<16xf32>,
        tpu.vector_store %arg10[%swap3A], %gather3A_104 {strides = array<i32>} : memref<64xf32, #tpu.memory_space<vmem>>, vector<16xf32>,
        %swap3A_118 = arith.constant 16 : index
        %swap3A_119 = tpu.vector_load %arg10[%swap3A_118] {strides = array<i32>} : memref<64xf32, #tpu.memory_space<vmem>>, vector<16xf32>,
        tpu.vector_store %arg10[%swap3A_118], %gather3A_108 {strides = array<i32>} : memref<64xf32, #tpu.memory_space<vmem>>, vector<16xf32>,
        %swap3A_120 = arith.constant 32 : index
        %swap3A_121 = tpu.vector_load %arg10[%swap3A_120] {strides = array<i32>} : memref<64xf32, #tpu.memory_space<vmem>>, vector<16xf32>,
        tpu.vector_store %arg10[%swap3A_120], %gather3A_112 {strides = array<i32>} : memref<64xf32, #tpu.memory_space<vmem>>, vector<16xf32>,
        %swap3A_122 = arith.constant 48 : index
        %swap3A_123 = tpu.vector_load %arg10[%swap3A_122] {strides = array<i32>} : memref<64xf32, #tpu.memory_space<vmem>>, vector<16xf32>,
        tpu.vector_store %arg10[%swap3A_122], %gather3A_116 {strides = array<i32>} : memref<64xf32, #tpu.memory_space<vmem>>, vector<16xf32>,
        %add3A_124 = arith.addi %multiple_of3A, %scan3A_78 : i32
        "tpu.region"() ({
          %run_scoped3A = tpu.sem_alloc : memref<!tpu.dma_semaphore, #tpu.memory_space<semaphore_mem>>
          %dma_start3A = arith.constant 0 : i32
          %dma_start3A_125 = tpu.memref_slice %arg7[%add3A_124, %dma_start3A] : memref<20x64xf32, #tpu.memory_space<hbm>> -> memref<1x64xf32, #tpu.memory_space<hbm>>
          %dma_start3A_126 = tpu.memref_squeeze %dma_start3A_125 : memref<1x64xf32, #tpu.memory_space<hbm>> -> memref<64xf32, #tpu.memory_space<hbm>>
          %dma_start3A_127 = arith.constant 0 : i32
          %dma_start3A_128 = tpu.memref_slice %arg7[%add3A_124, %dma_start3A_127] : memref<20x64xf32, #tpu.memory_space<hbm>> -> memref<1x64xf32, #tpu.memory_space<hbm>>
          %dma_start3A_129 = tpu.memref_squeeze %dma_start3A_128 : memref<1x64xf32, #tpu.memory_space<hbm>> -> memref<64xf32, #tpu.memory_space<hbm>>
          tpu.enqueue_dma source(%arg10 : memref<64xf32, #tpu.memory_space<vmem>>) target(%dma_start3A_129 : memref<64xf32, #tpu.memory_space<hbm>>) target_semaphore(%run_scoped3A : memref<!tpu.dma_semaphore, #tpu.memory_space<semaphore_mem>>)
          %dma_wait3A_130 = arith.constant 0 : i32
          %dma_wait3A_131 = tpu.memref_slice %arg7[%add3A_124, %dma_wait3A_130] : memref<20x64xf32, #tpu.memory_space<hbm>> -> memref<1x64xf32, #tpu.memory_space<hbm>>
          %dma_wait3A_132 = tpu.memref_squeeze %dma_wait3A_131 : memref<1x64xf32, #tpu.memory_space<hbm>> -> memref<64xf32, #tpu.memory_space<hbm>>
          %dma_wait3A_133 = arith.constant 0 : i32
          %dma_wait3A_134 = tpu.memref_slice %arg7[%add3A_124, %dma_wait3A_133] : memref<20x64xf32, #tpu.memory_space<hbm>> -> memref<1x64xf32, #tpu.memory_space<hbm>>
          %dma_wait3A_135 = tpu.memref_squeeze %dma_wait3A_134 : memref<1x64xf32, #tpu.memory_space<hbm>> -> memref<64xf32, #tpu.memory_space<hbm>>
          tpu.wait_dma2 semaphore(%run_scoped3A : memref<!tpu.dma_semaphore, #tpu.memory_space<semaphore_mem>>) src(%arg10 : memref<64xf32, #tpu.memory_space<vmem>>) dst(%dma_wait3A_135 : memref<64xf32, #tpu.memory_space<hbm>>)
          tpu.yield
        }) : () -> ()
      }
      %scan3A_77 = arith.constant 8 : i32
    } else {
    }
    %eq3A = arith.constant 27 : i32
    %eq3A_9 = arith.cmpi eq, %add3A, %eq3A : i32
    %convert_element_type3A_10 = arith.extui %eq3A_9 : i1 to i32
    %cond3A_11 = arith.constant 0 : i32
    %cond3A_12 = arith.cmpi ne, %convert_element_type3A_10, %cond3A_11 : i32
    scf.if %cond3A_12 {
      "tpu.region"() ({
        %run_scoped3A = tpu.sem_alloc : memref<!tpu.dma_semaphore, #tpu.memory_space<semaphore_mem>>
        %dma_start3A = arith.constant 0 : i32
        %dma_start3A_74 = tpu.memref_slice %arg8[%dma_start3A] : memref<16xi32, #tpu.memory_space<vmem>> -> memref<4xi32, #tpu.memory_space<vmem>>
        %dma_start3A_75 = arith.constant 16 : i32
        %dma_start3A_76 = tpu.memref_slice %arg5[%dma_start3A_75] : memref<20xi32, #tpu.memory_space<hbm>> -> memref<4xi32, #tpu.memory_space<hbm>>
        %dma_start3A_77 = arith.constant 0 : i32
        %dma_start3A_78 = tpu.memref_slice %arg8[%dma_start3A_77] : memref<16xi32, #tpu.memory_space<vmem>> -> memref<4xi32, #tpu.memory_space<vmem>>
        %dma_start3A_79 = arith.constant 16 : i32
        %dma_start3A_80 = tpu.memref_slice %arg5[%dma_start3A_79] : memref<20xi32, #tpu.memory_space<hbm>> -> memref<4xi32, #tpu.memory_space<hbm>>
        tpu.enqueue_dma source(%dma_start3A_80 : memref<4xi32, #tpu.memory_space<hbm>>) target(%dma_start3A_78 : memref<4xi32, #tpu.memory_space<vmem>>) target_semaphore(%run_scoped3A : memref<!tpu.dma_semaphore, #tpu.memory_space<semaphore_mem>>)
        %dma_wait3A = arith.constant 0 : i32
        %dma_wait3A_81 = tpu.memref_slice %arg8[%dma_wait3A] : memref<16xi32, #tpu.memory_space<vmem>> -> memref<4xi32, #tpu.memory_space<vmem>>
        %dma_wait3A_82 = arith.constant 16 : i32
        %dma_wait3A_83 = tpu.memref_slice %arg5[%dma_wait3A_82] : memref<20xi32, #tpu.memory_space<hbm>> -> memref<4xi32, #tpu.memory_space<hbm>>
        %dma_wait3A_84 = arith.constant 0 : i32
        %dma_wait3A_85 = tpu.memref_slice %arg8[%dma_wait3A_84] : memref<16xi32, #tpu.memory_space<vmem>> -> memref<4xi32, #tpu.memory_space<vmem>>
        %dma_wait3A_86 = arith.constant 16 : i32
        %dma_wait3A_87 = tpu.memref_slice %arg5[%dma_wait3A_86] : memref<20xi32, #tpu.memory_space<hbm>> -> memref<4xi32, #tpu.memory_space<hbm>>
        tpu.wait_dma2 semaphore(%run_scoped3A : memref<!tpu.dma_semaphore, #tpu.memory_space<semaphore_mem>>) src(%dma_wait3A_87 : memref<4xi32, #tpu.memory_space<hbm>>) dst(%dma_wait3A_85 : memref<4xi32, #tpu.memory_space<vmem>>)
        tpu.yield
      }) : () -> ()
      %get3A = arith.constant 0 : index
      %get3A_13 = tpu.vector_load %arg8[%get3A] {strides = array<i32>} : memref<16xi32, #tpu.memory_space<vmem>>, vector<16xi32>,
      %jit3A = arith.constant 128 : i32
      %div3A = vector.broadcast %jit3A : i32 to vector<16xi32>
      %div3A_14 = arith.divsi %get3A_13, %div3A : vector<16xi32>
      %sign3A = arith.constant 0 : i32
      %sign3A_15 = vector.broadcast %sign3A : i32 to vector<16xi32>
      %sign3A_16 = arith.cmpi sgt, %get3A_13, %sign3A_15 : vector<16xi32>
      %sign3A_17 = arith.extui %sign3A_16 : vector<16xi1> to vector<16xi32>
      %sign3A_18 = arith.constant 0 : i32
      %sign3A_19 = vector.broadcast %sign3A_18 : i32 to vector<16xi32>
      %sign3A_20 = arith.cmpi slt, %get3A_13, %sign3A_19 : vector<16xi32>
      %sign3A_21 = arith.extui %sign3A_20 : vector<16xi1> to vector<16xi32>
      %sign3A_22 = arith.subi %sign3A_17, %sign3A_21 : vector<16xi32>
      %sign3A_23 = arith.constant 0 : i32
      %sign3A_24 = arith.cmpi sgt, %jit3A, %sign3A_23 : i32
      %sign3A_25 = arith.extui %sign3A_24 : i1 to i32
      %sign3A_26 = arith.constant 0 : i32
      %sign3A_27 = arith.cmpi slt, %jit3A, %sign3A_26 : i32
      %sign3A_28 = arith.extui %sign3A_27 : i1 to i32
      %sign3A_29 = arith.subi %sign3A_25, %sign3A_28 : i32
      %ne3A = vector.broadcast %sign3A_29 : i32 to vector<16xi32>
      %ne3A_30 = arith.cmpi ne, %sign3A_22, %ne3A : vector<16xi32>
      %rem3A = vector.broadcast %jit3A : i32 to vector<16xi32>
      %rem3A_31 = arith.remsi %get3A_13, %rem3A : vector<16xi32>
      %ne3A_32 = arith.constant 0 : i32
      %ne3A_33 = vector.broadcast %ne3A_32 : i32 to vector<16xi32>
      %ne3A_34 = arith.cmpi ne, %rem3A_31, %ne3A_33 : vector<16xi32>
      %and3A_35 = arith.andi %ne3A_30, %ne3A_34 : vector<16xi1>
      %sub3A = arith.constant 1 : i32
      %sub3A_36 = vector.broadcast %sub3A : i32 to vector<16xi32>
      %sub3A_37 = arith.subi %div3A_14, %sub3A_36 : vector<16xi32>
      %select_n3A = arith.select %and3A_35, %sub3A_37, %div3A_14 : vector<16xi1>, vector<16xi32>
      %mul3A_38 = arith.constant 128 : i32
      %mul3A_39 = vector.broadcast %mul3A_38 : i32 to vector<16xi32>
      %mul3A_40 = arith.muli %select_n3A, %mul3A_39 : vector<16xi32>
      %jit3A_41 = arith.constant 128 : i32
      %eq3A_42 = arith.constant 0 : i32
      %eq3A_43 = arith.cmpi eq, %jit3A_41, %eq3A_42 : i32
      %jit3A_44 = arith.constant 1 : i32
      %select_n3A_45 = arith.select %eq3A_43, %jit3A_44, %jit3A_41 : i32
      %rem3A_46 = vector.broadcast %select_n3A_45 : i32 to vector<16xi32>
      %rem3A_47 = arith.remsi %get3A_13, %rem3A_46 : vector<16xi32>
      %ne3A_48 = arith.constant 0 : i32
      %ne3A_49 = vector.broadcast %ne3A_48 : i32 to vector<16xi32>
      %ne3A_50 = arith.cmpi ne, %rem3A_47, %ne3A_49 : vector<16xi32>
      %lt3A_51 = arith.constant 0 : i32
      %lt3A_52 = vector.broadcast %lt3A_51 : i32 to vector<16xi32>
      %lt3A_53 = arith.cmpi slt, %rem3A_47, %lt3A_52 : vector<16xi32>
      %lt3A_54 = arith.constant 0 : i32
      %lt3A_55 = arith.cmpi slt, %select_n3A_45, %lt3A_54 : i32
      %ne3A_56 = vector.broadcast %lt3A_55 : i1 to vector<16xi1>
      %ne3A_57 = vector.broadcast %ne3A_56 : vector<16xi1> to vector<16xi1>
      %ne3A_58 = arith.xori %lt3A_53, %ne3A_57 : vector<16xi1>
      %and3A_59 = arith.andi %ne3A_58, %ne3A_50 : vector<16xi1>
      %add3A_60 = vector.broadcast %select_n3A_45 : i32 to vector<16xi32>
      %add3A_61 = arith.addi %rem3A_47, %add3A_60 : vector<16xi32>
      %select_n3A_62 = arith.select %and3A_59, %add3A_61, %rem3A_47 : vector<16xi1>, vector<16xi32>
      %scan3A = arith.constant 0 : i32
      %scan3A_63 = arith.constant 0 : i32
      %scan3A_64 = arith.constant 4 : i32
      %scan3A_65 = arith.addi %scan3A_63, %scan3A_64 : i32
      %scan3A_66 = arith.constant 1 : i32
      scf.for %scan3A_74 = %scan3A_63 to %scan3A_65 step %scan3A_66  : i32 {
        %broadcast_in_dim3A = vector.broadcast %scan3A_74 : i32 to vector<16xi32>
        %lt3A_75 = arith.constant 0 : i32
        %lt3A_76 = vector.broadcast %lt3A_75 : i32 to vector<16xi32>
        %lt3A_77 = arith.cmpi slt, %broadcast_in_dim3A, %lt3A_76 : vector<16xi32>
        %add3A_78 = arith.constant 16 : i32
        %add3A_79 = vector.broadcast %add3A_78 : i32 to vector<16xi32>
        %add3A_80 = arith.addi %broadcast_in_dim3A, %add3A_79 : vector<16xi32>
        %select_n3A_81 = arith.select %lt3A_77, %add3A_80, %broadcast_in_dim3A : vector<16xi1>, vector<16xi32>
        %broadcast_in_dim3A_82 = vector.shape_cast %select_n3A_81 : vector<16xi32> to vector<16x1xi32>
        %gather3A = vector.shape_cast %broadcast_in_dim3A_82 : vector<16x1xi32> to vector<16xi32>
        %gather3A_83 = tpu.dynamic_gather %mul3A_40[%gather3A] in [0] : vector<16xi32>, vector<16xi32> -> vector<16xi32>
        %slice3A = vector.extract_strided_slice %gather3A_83 {offsets = [0], sizes = [1], strides = [1]} : vector<16xi32> to vector<1xi32>
        %squeeze3A = vector.extract %slice3A[0] : i32 from vector<1xi32>
        %multiple_of3A = tpu.assume_multiple %squeeze3A, 128 : i32
        %dma_start3A = arith.constant 0 : i32
        %dma_start3A_84 = arith.constant 0 : i32
        %dma_start3A_85 = tpu.memref_slice %arg9[%scan3A_74, %dma_start3A, %dma_start3A_84] : memref<8x64x128xf32, #tpu.memory_space<vmem>> -> memref<1x64x128xf32, #tpu.memory_space<vmem>>
        %dma_start3A_86 = tpu.memref_squeeze %dma_start3A_85 : memref<1x64x128xf32, #tpu.memory_space<vmem>> -> memref<64x128xf32, #tpu.memory_space<vmem>>
        %dma_start3A_87 = arith.constant 0 : i32
        %dma_start3A_88 = tpu.memref_slice %arg3[%dma_start3A_87, %multiple_of3A] : memref<64x999999xf32, #tpu.memory_space<hbm>> -> memref<64x128xf32, #tpu.memory_space<hbm>>
        %dma_start3A_89 = arith.constant 0 : i32
        %dma_start3A_90 = arith.constant 0 : i32
        %dma_start3A_91 = tpu.memref_slice %arg9[%scan3A_74, %dma_start3A_89, %dma_start3A_90] : memref<8x64x128xf32, #tpu.memory_space<vmem>> -> memref<1x64x128xf32, #tpu.memory_space<vmem>>
        %dma_start3A_92 = tpu.memref_squeeze %dma_start3A_91 : memref<1x64x128xf32, #tpu.memory_space<vmem>> -> memref<64x128xf32, #tpu.memory_space<vmem>>
        %dma_start3A_93 = arith.constant 0 : i32
        %dma_start3A_94 = tpu.memref_slice %arg3[%dma_start3A_93, %multiple_of3A] : memref<64x999999xf32, #tpu.memory_space<hbm>> -> memref<64x128xf32, #tpu.memory_space<hbm>>
        tpu.enqueue_dma source(%dma_start3A_94 : memref<64x128xf32, #tpu.memory_space<hbm>>) target(%dma_start3A_92 : memref<64x128xf32, #tpu.memory_space<vmem>>) target_semaphore(%arg11 : memref<!tpu.dma_semaphore, #tpu.memory_space<semaphore_mem>>)
      }
      %scan3A_67 = arith.constant 4 : i32
      %scan3A_68 = arith.constant 0 : i32
      %scan3A_69 = arith.constant 0 : i32
      %scan3A_70 = arith.constant 4 : i32
      %scan3A_71 = arith.addi %scan3A_69, %scan3A_70 : i32
      %scan3A_72 = arith.constant 1 : i32
      scf.for %scan3A_74 = %scan3A_69 to %scan3A_71 step %scan3A_72  : i32 {
        %dma_wait3A = arith.constant 0 : i32
        %dma_wait3A_75 = arith.constant 0 : i32
        %dma_wait3A_76 = tpu.memref_slice %arg9[%scan3A_74, %dma_wait3A, %dma_wait3A_75] : memref<8x64x128xf32, #tpu.memory_space<vmem>> -> memref<1x64x128xf32, #tpu.memory_space<vmem>>
        %dma_wait3A_77 = tpu.memref_squeeze %dma_wait3A_76 : memref<1x64x128xf32, #tpu.memory_space<vmem>> -> memref<64x128xf32, #tpu.memory_space<vmem>>
        %dma_wait3A_78 = arith.constant 0 : i32
        %dma_wait3A_79 = arith.constant 0 : i32
        %dma_wait3A_80 = tpu.memref_slice %arg3[%dma_wait3A_78, %dma_wait3A_79] : memref<64x999999xf32, #tpu.memory_space<hbm>> -> memref<64x128xf32, #tpu.memory_space<hbm>>
        %dma_wait3A_81 = arith.constant 0 : i32
        %dma_wait3A_82 = arith.constant 0 : i32
        %dma_wait3A_83 = tpu.memref_slice %arg9[%scan3A_74, %dma_wait3A_81, %dma_wait3A_82] : memref<8x64x128xf32, #tpu.memory_space<vmem>> -> memref<1x64x128xf32, #tpu.memory_space<vmem>>
        %dma_wait3A_84 = tpu.memref_squeeze %dma_wait3A_83 : memref<1x64x128xf32, #tpu.memory_space<vmem>> -> memref<64x128xf32, #tpu.memory_space<vmem>>
        %dma_wait3A_85 = arith.constant 0 : i32
        %dma_wait3A_86 = arith.constant 0 : i32
        %dma_wait3A_87 = tpu.memref_slice %arg3[%dma_wait3A_85, %dma_wait3A_86] : memref<64x999999xf32, #tpu.memory_space<hbm>> -> memref<64x128xf32, #tpu.memory_space<hbm>>
        tpu.wait_dma2 semaphore(%arg11 : memref<!tpu.dma_semaphore, #tpu.memory_space<semaphore_mem>>) src(%dma_wait3A_87 : memref<64x128xf32, #tpu.memory_space<hbm>>) dst(%dma_wait3A_84 : memref<64x128xf32, #tpu.memory_space<vmem>>)
        %broadcast_in_dim3A = vector.broadcast %scan3A_74 : i32 to vector<16xi32>
        %lt3A_88 = arith.constant 0 : i32
        %lt3A_89 = vector.broadcast %lt3A_88 : i32 to vector<16xi32>
        %lt3A_90 = arith.cmpi slt, %broadcast_in_dim3A, %lt3A_89 : vector<16xi32>
        %add3A_91 = arith.constant 16 : i32
        %add3A_92 = vector.broadcast %add3A_91 : i32 to vector<16xi32>
        %add3A_93 = arith.addi %broadcast_in_dim3A, %add3A_92 : vector<16xi32>
        %select_n3A_94 = arith.select %lt3A_90, %add3A_93, %broadcast_in_dim3A : vector<16xi1>, vector<16xi32>
        %broadcast_in_dim3A_95 = vector.shape_cast %select_n3A_94 : vector<16xi32> to vector<16x1xi32>
        %gather3A = vector.shape_cast %broadcast_in_dim3A_95 : vector<16x1xi32> to vector<16xi32>
        %gather3A_96 = tpu.dynamic_gather %select_n3A_62[%gather3A] in [0] : vector<16xi32>, vector<16xi32> -> vector<16xi32>
        %add3A_97 = arith.constant 0 : i32
        %add3A_98 = vector.broadcast %add3A_97 : i32 to vector<16xi32>
        %add3A_99 = arith.addi %iota3A, %add3A_98 : vector<16xi32>
        %gather3A_100 = tpu.vector_load_idx %arg9[%broadcast_in_dim3A, %add3A_99, %gather3A_96] : memref<8x64x128xf32, #tpu.memory_space<vmem>>[vector<16xi32>, vector<16xi32>, vector<16xi32>], vector<16xf32>,
        %add3A_101 = arith.constant 16 : i32
        %add3A_102 = vector.broadcast %add3A_101 : i32 to vector<16xi32>
        %add3A_103 = arith.addi %iota3A, %add3A_102 : vector<16xi32>
        %gather3A_104 = tpu.vector_load_idx %arg9[%broadcast_in_dim3A, %add3A_103, %gather3A_96] : memref<8x64x128xf32, #tpu.memory_space<vmem>>[vector<16xi32>, vector<16xi32>, vector<16xi32>], vector<16xf32>,
        %add3A_105 = arith.constant 32 : i32
        %add3A_106 = vector.broadcast %add3A_105 : i32 to vector<16xi32>
        %add3A_107 = arith.addi %iota3A, %add3A_106 : vector<16xi32>
        %gather3A_108 = tpu.vector_load_idx %arg9[%broadcast_in_dim3A, %add3A_107, %gather3A_96] : memref<8x64x128xf32, #tpu.memory_space<vmem>>[vector<16xi32>, vector<16xi32>, vector<16xi32>], vector<16xf32>,
        %add3A_109 = arith.constant 48 : i32
        %add3A_110 = vector.broadcast %add3A_109 : i32 to vector<16xi32>
        %add3A_111 = arith.addi %iota3A, %add3A_110 : vector<16xi32>
        %gather3A_112 = tpu.vector_load_idx %arg9[%broadcast_in_dim3A, %add3A_111, %gather3A_96] : memref<8x64x128xf32, #tpu.memory_space<vmem>>[vector<16xi32>, vector<16xi32>, vector<16xi32>], vector<16xf32>,
        %swap3A = arith.constant 0 : index
        %swap3A_113 = tpu.vector_load %arg10[%swap3A] {strides = array<i32>} : memref<64xf32, #tpu.memory_space<vmem>>, vector<16xf32>,
        tpu.vector_store %arg10[%swap3A], %gather3A_100 {strides = array<i32>} : memref<64xf32, #tpu.memory_space<vmem>>, vector<16xf32>,
        %swap3A_114 = arith.constant 16 : index
        %swap3A_115 = tpu.vector_load %arg10[%swap3A_114] {strides = array<i32>} : memref<64xf32, #tpu.memory_space<vmem>>, vector<16xf32>,
        tpu.vector_store %arg10[%swap3A_114], %gather3A_104 {strides = array<i32>} : memref<64xf32, #tpu.memory_space<vmem>>, vector<16xf32>,
        %swap3A_116 = arith.constant 32 : index
        %swap3A_117 = tpu.vector_load %arg10[%swap3A_116] {strides = array<i32>} : memref<64xf32, #tpu.memory_space<vmem>>, vector<16xf32>,
        tpu.vector_store %arg10[%swap3A_116], %gather3A_108 {strides = array<i32>} : memref<64xf32, #tpu.memory_space<vmem>>, vector<16xf32>,
        %swap3A_118 = arith.constant 48 : index
        %swap3A_119 = tpu.vector_load %arg10[%swap3A_118] {strides = array<i32>} : memref<64xf32, #tpu.memory_space<vmem>>, vector<16xf32>,
        tpu.vector_store %arg10[%swap3A_118], %gather3A_112 {strides = array<i32>} : memref<64xf32, #tpu.memory_space<vmem>>, vector<16xf32>,
        %add3A_120 = arith.constant 16 : i32
        %add3A_121 = arith.addi %add3A_120, %scan3A_74 : i32
        "tpu.region"() ({
          %run_scoped3A = tpu.sem_alloc : memref<!tpu.dma_semaphore, #tpu.memory_space<semaphore_mem>>
          %dma_start3A = arith.constant 0 : i32
          %dma_start3A_122 = tpu.memref_slice %arg7[%add3A_121, %dma_start3A] : memref<20x64xf32, #tpu.memory_space<hbm>> -> memref<1x64xf32, #tpu.memory_space<hbm>>
          %dma_start3A_123 = tpu.memref_squeeze %dma_start3A_122 : memref<1x64xf32, #tpu.memory_space<hbm>> -> memref<64xf32, #tpu.memory_space<hbm>>
          %dma_start3A_124 = arith.constant 0 : i32
          %dma_start3A_125 = tpu.memref_slice %arg7[%add3A_121, %dma_start3A_124] : memref<20x64xf32, #tpu.memory_space<hbm>> -> memref<1x64xf32, #tpu.memory_space<hbm>>
          %dma_start3A_126 = tpu.memref_squeeze %dma_start3A_125 : memref<1x64xf32, #tpu.memory_space<hbm>> -> memref<64xf32, #tpu.memory_space<hbm>>
          tpu.enqueue_dma source(%arg10 : memref<64xf32, #tpu.memory_space<vmem>>) target(%dma_start3A_126 : memref<64xf32, #tpu.memory_space<hbm>>) target_semaphore(%run_scoped3A : memref<!tpu.dma_semaphore, #tpu.memory_space<semaphore_mem>>)
          %dma_wait3A_127 = arith.constant 0 : i32
          %dma_wait3A_128 = tpu.memref_slice %arg7[%add3A_121, %dma_wait3A_127] : memref<20x64xf32, #tpu.memory_space<hbm>> -> memref<1x64xf32, #tpu.memory_space<hbm>>
          %dma_wait3A_129 = tpu.memref_squeeze %dma_wait3A_128 : memref<1x64xf32, #tpu.memory_space<hbm>> -> memref<64xf32, #tpu.memory_space<hbm>>
          %dma_wait3A_130 = arith.constant 0 : i32
          %dma_wait3A_131 = tpu.memref_slice %arg7[%add3A_121, %dma_wait3A_130] : memref<20x64xf32, #tpu.memory_space<hbm>> -> memref<1x64xf32, #tpu.memory_space<hbm>>
          %dma_wait3A_132 = tpu.memref_squeeze %dma_wait3A_131 : memref<1x64xf32, #tpu.memory_space<hbm>> -> memref<64xf32, #tpu.memory_space<hbm>>
          tpu.wait_dma2 semaphore(%run_scoped3A : memref<!tpu.dma_semaphore, #tpu.memory_space<semaphore_mem>>) src(%arg10 : memref<64xf32, #tpu.memory_space<vmem>>) dst(%dma_wait3A_132 : memref<64xf32, #tpu.memory_space<hbm>>)
          tpu.yield
        }) : () -> ()
      }
      %scan3A_73 = arith.constant 4 : i32
    } else {
    }
    return
  }
}

module attributes {stable_mosaic.version = 14 : i64} {
  func.func @_tc_body(%arg0: memref<25x64xf32, #tpu.memory_space<vmem>>, %arg1: memref<20x64xf32, #tpu.memory_space<vmem>>, %arg2: memref<20xf32, #tpu.memory_space<vmem>>, %arg3: memref<1x1xf32, #tpu.memory_space<vmem>>) attributes {dimension_semantics = [], scalar_prefetch = 0 : i64, scratch_operands = 0 : i64, tpu.core_type = #tpu.core_type<tc>} {
    %get3A = arith.constant 0 : index
    %get3A_0 = arith.constant 0 : index
    %get3A_1 = vector.load %arg0[%get3A, %get3A_0] : memref<25x64xf32, #tpu.memory_space<vmem>>, vector<25x64xf32>
    %reduce_sum3A = arith.constant dense<0.000000e+00> : vector<64xf32>
    %reduce_sum3A_2 = vector.multi_reduction <add>, %get3A_1, %reduce_sum3A [0] : vector<25x64xf32> to vector<64xf32>
    %broadcast_in_dim3A = vector.shape_cast %reduce_sum3A_2 : vector<64xf32> to vector<1x64xf32>
    %get3A_3 = arith.constant 0 : index
    %get3A_4 = arith.constant 0 : index
    %get3A_5 = vector.load %arg1[%get3A_3, %get3A_4] : memref<20x64xf32, #tpu.memory_space<vmem>>, vector<20x64xf32>
    %mul3A = vector.broadcast %broadcast_in_dim3A : vector<1x64xf32> to vector<20x64xf32>
    %mul3A_6 = arith.mulf %get3A_5, %mul3A : vector<20x64xf32>
    %reduce_sum3A_7 = arith.constant dense<0.000000e+00> : vector<20xf32>
    %reduce_sum3A_8 = vector.multi_reduction <add>, %mul3A_6, %reduce_sum3A_7 [1] : vector<20x64xf32> to vector<20xf32>
    %logistic3A = arith.negf %reduce_sum3A_8 : vector<20xf32>
    %logistic3A_9 = math.exp %logistic3A : vector<20xf32>
    %logistic3A_10 = arith.constant 1.000000e+00 : f32
    %logistic3A_11 = vector.broadcast %logistic3A_10 : f32 to vector<20xf32>
    %logistic3A_12 = arith.addf %logistic3A_11, %logistic3A_9 : vector<20xf32>
    %logistic3A_13 = arith.divf %logistic3A_11, %logistic3A_12 : vector<20xf32>
    %get3A_14 = arith.constant 0 : index
    %get3A_15 = vector.load %arg2[%get3A_14] : memref<20xf32, #tpu.memory_space<vmem>>, vector<20xf32>
    %log3A = math.log %logistic3A_13 : vector<20xf32>
    %mul3A_16 = arith.mulf %log3A, %get3A_15 : vector<20xf32>
    %sub3A = arith.constant 1.000000e+00 : f32
    %sub3A_17 = vector.broadcast %sub3A : f32 to vector<20xf32>
    %sub3A_18 = arith.subf %sub3A_17, %logistic3A_13 : vector<20xf32>
    %log3A_19 = math.log %sub3A_18 : vector<20xf32>
    %sub3A_20 = arith.constant 1.000000e+00 : f32
    %sub3A_21 = vector.broadcast %sub3A_20 : f32 to vector<20xf32>
    %sub3A_22 = arith.subf %sub3A_21, %get3A_15 : vector<20xf32>
    %mul3A_23 = arith.mulf %log3A_19, %sub3A_22 : vector<20xf32>
    %add3A = arith.addf %mul3A_16, %mul3A_23 : vector<20xf32>
    %reduce_sum3A_24 = vector.shape_cast %add3A : vector<20xf32> to vector<1x20xf32>
    %reduce_sum3A_25 = arith.constant dense<0.000000e+00> : vector<1xf32>
    %reduce_sum3A_26 = vector.multi_reduction <add>, %reduce_sum3A_24, %reduce_sum3A_25 [1] : vector<1x20xf32> to vector<1xf32>
    %reduce_sum3A_27 = vector.shape_cast %reduce_sum3A_26 : vector<1xf32> to vector<1x1xf32>
    %reduce_sum3A_28 = vector.extract %reduce_sum3A_27[0, 0] : f32 from vector<1x1xf32>
    %reshape3A = vector.broadcast %reduce_sum3A_28 : f32 to vector<1x1xf32>
    %swap3A = arith.constant 0 : index
    %swap3A_29 = arith.constant 0 : index
    %swap3A_30 = vector.load %arg3[%swap3A, %swap3A_29] : memref<1x1xf32, #tpu.memory_space<vmem>>, vector<1x1xf32>
    tpu.vector_store %arg3[%swap3A, %swap3A_29], %reshape3A {strides = array<i32>} : memref<1x1xf32, #tpu.memory_space<vmem>>, vector<1x1xf32>,
    return
  }
}

</mosaic_0001>

<sc_bundles>
// kernel: kernel.4.cloned.1.call-start
scs
__scs_entry_jumppad:
0x0: {  	(pc) =	sbr.rel $0x88, $3  }
0x1: {  	(tag) =	ssettag $0x0;
	lr =	simm.s32 $0x1  }
0x2: {  	[smem:$0x3F9C] =	sst lr;
	_ =	strace $0xD0000000  }
0x3: {  	_ = 	snop  }
0x4: {  	_ = 	snop  }
0x5: {  	_ = 	snop  }
0x6: {  	_ = 	snop  }
0x7: {  	_ = 	snop  }
__scs_overlays_trampoline_lowered:
0x8: {  	[smem:$0x3FAB] =	sst s0  }
0x9: {  	[smem:$0x3FAC] =	sst s1  }
0xa: {  	[smem:$0x3FAD] =	sst s2  }
0xb: {  	[smem:$0x3FAE] =	sst s3  }
0xc: {  	[smem:$0x3FAF] =	sst s4  }
0xd: {  	[smem:$0x3FB0] =	sst s5  }
0xe: {  	[smem:$0x3FB1] =	sst s6  }
0xf: {  	[smem:$0x3FB2] =	sst s7  }
0x10: {  	[smem:$0x3FB3] =	sst s8  }
0x11: {  	[smem:$0x3FB4] =	sst s9;
	s0 =	simm.s32 @!p0 $0x0  }
0x12: {  	s1 =	sld [smem:$0x3F9A];
	s0 =	simm.s32 @p0 $0x1  }
0x13: {  	[smem:$0x3FB5] =	sst s0;
	s0 =	simm.s32 @!p1 $0x0  }
0x14: {  	s2 =	sld [smem:$0x3F99];
	s0 =	simm.s32 @p1 $0x1  }
0x15: {  	[smem:$0x3FB6] =	sst s0;
	s0 =	simm.s32 @!p2 $0x0  }
0x16: {  	s3 =	sld [smem:$0x3FDB];
	s0 =	simm.s32 @p2 $0x1  }
0x17: {  	s4 =	simm.s32 $0x1BF5;
	[smem:$0x3FB8] =	sst s0  }
0x18: {  	s0 =	sld [smem:$0x3F9B];
	_ =	swait.ge [sflag:s4], $0x0  }
0x19: {  	s7 =	sld [smem:$0x3F9C]  }
0x1a: {  	s8 =	sadd.s32 $0xFFFFE003, lr  }
0x1b: {  	s9 =	sadd.s32 $0xFFFFFEF7, lr;
	s5 =	simm.s32 $0xFFFFFFFF;
	p2 =	slt.u32 s8, $0xFFFFF086  }
0x1c: {  	p1 =	slt.u32 s9, $0xF7A;
	s5 =	simm.s32 @!p2 $0x0  }
0x1d: {  	s5 =	simm.s32 @p1 $0x1;
	p0 =	seq.s32 s7, s2  }
0x1e: {  	s7 =	smul.u32 @!p0 $0xF7A, s2;
	p2 =	seq.s32 @!p0 s5, $0x0  }
0x1f: {  	s9 =	smul.u32 $0xF7A, s1;
	s8 =	simm.s32 @!p0 $0x1BF5;
	p2 =	por !p2, p0  }
0x20: {  	[sflag:s8] =	ssyncset.s32 @!p0 $0xFFFFF086;
	s6 =	sadd.s32 @!p0 s3, s7;
	s7 =	simm.s32 @!p0 $0x108  }
0x21: {  	s3 =	sadd.s32 s3, s9;
	s6 =	sadd.s32 @!p0 $0x88, s6;
	s7 =	simm.s32 @p2 $0x1082  }
0x22: {  	[simem:s7], [sflag:s8] =	dma.local @!p0 [hbm:s6], $0xF7A  }
0x23: {  	s9 =	sor.u32 $0xD0000000, s2;
	s6 =	simm.s32 $0x108;
	_ =	swait.ge @!p0 [sflag:s8], $0x0  }
0x24: {  	s3 =	sadd.s32 $0x88, s3;
	s6 =	simm.s32 @!p1 $0x1082;
	[sflag:s4] =	ssyncset.s32 $0xFFFFF086  }
0x25: {  	[simem:s6], [sflag:s4] =	dma.local [hbm:s3], $0xF7A  }
0x26: {  	[smem:$0x3F9C] =	sst s1;
	(tag) =	ssettag s2;
	_ =	strace s9  }
0x27: {  	s1 =	sld [smem:$0x3FAC]  }
0x28: {  	s2 =	sld [smem:$0x3FAD]  }
0x29: {  	s4 =	sld [smem:$0x3FAF]  }
0x2a: {  	p0 =	seq.s32 s5, $0x0;
	s5 =	sld [smem:$0x3FB0]  }
0x2b: {  	s6 =	sld [smem:$0x3FB1]  }
0x2c: {  	s7 =	sld [smem:$0x3FB2]  }
0x2d: {  	s3 =	simm.s32 $0x108;
	s8 =	sld [smem:$0x3FB3]  }
0x2e: {  	s3 =	simm.s32 @!p0 $0x1082;
	s9 =	sld [smem:$0x3FB4]  }
0x2f: {  	lr =	sadd.s32 s0, s3;
	s0 =	sld [smem:$0x3FAB]  }
0x30: {  	s3 =	sld [smem:$0x3FAE]  }
0x31: {  	[smem:$0x3FB7] =	sst s10  }
0x32: {  	s10 =	sld [smem:$0x3FB5];
	_ =	sdelay $0x3  }
0x33: {  	p0 =	seq.s32 s10, $0x1;
	s10 =	sld [smem:$0x3FB7];
	_ =	sdelay $0x3  }
0x34: {  	[smem:$0x3FB7] =	sst s10  }
0x35: {  	s10 =	sld [smem:$0x3FB6];
	_ =	sdelay $0x3  }
0x36: {  	p1 =	seq.s32 s10, $0x1;
	s10 =	sld [smem:$0x3FB7];
	_ =	sdelay $0x3  }
0x37: {  	[smem:$0x3FB7] =	sst s10  }
0x38: {  	s10 =	sld [smem:$0x3FB8]  }
0x39: {  	_ = 	snop;
	(pc) =	sbr.ind lr, $3  }
0x3a: {  	_ = 	snop  }
0x3b: {  	_ = 	snop  }
0x3c: {  	p2 =	seq.s32 s10, $0x1;
	s10 =	sld [smem:$0x3FB7]  }
0x3d: {  	_ =	shalt  }
0x3e: {  	_ =	shalt  }
0x3f: {  	_ =	shalt  }
0x40: {  	_ =	shalt  }
0x41: {  	_ =	shalt  }
0x42: {  	_ =	shalt  }
0x43: {  	_ =	shalt  }
0x44: {  	_ =	shalt  }
0x45: {  	_ =	shalt  }
0x46: {  	_ =	shalt  }
0x47: {  	_ =	shalt  }
0x48: {  	_ =	shalt  }
0x49: {  	_ =	shalt  }
0x4a: {  	_ =	shalt  }
0x4b: {  	_ =	shalt  }
0x4c: {  	_ =	shalt  }
0x4d: {  	_ =	shalt  }
0x4e: {  	_ =	shalt  }
0x4f: {  	_ =	shalt  }
0x50: {  	_ =	shalt  }
0x51: {  	_ =	shalt  }
0x52: {  	_ =	shalt  }
0x53: {  	_ =	shalt  }
0x54: {  	_ =	shalt  }
0x55: {  	_ =	shalt  }
0x56: {  	_ =	shalt  }
0x57: {  	_ =	shalt  }
0x58: {  	_ =	shalt  }
0x59: {  	_ =	shalt  }
0x5a: {  	_ =	shalt  }
0x5b: {  	_ =	shalt  }
0x5c: {  	_ =	shalt  }
0x5d: {  	_ =	shalt  }
0x5e: {  	_ =	shalt  }
0x5f: {  	_ =	shalt  }
0x60: {  	_ =	shalt  }
0x61: {  	_ =	shalt  }
0x62: {  	_ =	shalt  }
0x63: {  	_ =	shalt  }
0x64: {  	_ =	shalt  }
0x65: {  	_ =	shalt  }
0x66: {  	_ =	shalt  }
0x67: {  	_ =	shalt  }
0x68: {  	_ =	shalt  }
0x69: {  	_ =	shalt  }
0x6a: {  	_ =	shalt  }
0x6b: {  	_ =	shalt  }
0x6c: {  	_ =	shalt  }
0x6d: {  	_ =	shalt  }
0x6e: {  	_ =	shalt  }
0x6f: {  	_ =	shalt  }
0x70: {  	_ =	shalt  }
0x71: {  	_ =	shalt  }
0x72: {  	_ =	shalt  }
0x73: {  	_ =	shalt  }
0x74: {  	_ =	shalt  }
0x75: {  	_ =	shalt  }
0x76: {  	_ =	shalt  }
0x77: {  	_ =	shalt  }
0x78: {  	_ =	shalt  }
0x79: {  	_ =	shalt  }
0x7a: {  	_ =	shalt  }
0x7b: {  	_ =	shalt  }
0x7c: {  	_ =	shalt  }
0x7d: {  	_ =	shalt  }
0x7e: {  	_ =	shalt  }
0x7f: {  	_ =	shalt  }
0x80: {  	_ =	shalt  }
0x81: {  	_ =	shalt  }
0x82: {  	_ =	shalt  }
0x83: {  	_ =	shalt  }
0x84: {  	_ =	shalt  }
0x85: {  	_ =	shalt  }
0x86: {  	_ =	shalt  }
0x87: {  	_ =	shalt  }
.Lfunc_end0:
.L_simem_size_0:
called_computation_lowered:
.L_overlay_start_0:
0x88: {  	s2 =	sld [smem:$0x3FD9]  }
0x89: {  	s3 =	sld [smem:$0x3FFE];
	_ =	sdelay $0x1  }
0x8a: {  	s1 =	srdreg.scid  }
0x8b: {  	s0 =	sand.u32 $0x1, s1  }
0x8c: {  	s17 =	sshll.u32 s0, $0xA;
	s2 =	sadd.s32 s3, s2  }
0x8d: {  	s2 =	sadd.s32 s2, s17  }
0x8e: {  	[smem:$0x3FC3] =	sst s2  }
0x8f: {  	_ = 	snop  }
0x90: {  	s2 =	sld [smem:$0x3FC9]  }
0x91: {  	s18 =	sld [smem:$0x3FC7]  }
0x92: {  	s4 =	sld [smem:$0x3FC6]  }
0x93: {  	s5 =	sld [smem:$0x3FC5];
	(tm) =	ssettm $0x1  }
0x94: {  	s6 =	sld [smem:$0x3FFB];
	_ =	sdelay $0x3  }
0x95: {  	_ =	strace s6  }
0x96: {  	s6 =	sld [smem:$0x3FFC];
	_ =	sdelay $0x3  }
0x97: {  	_ =	strace s6  }
0x98: {  	s6 =	sld [smem:$0x3FFD];
	_ =	sdelay $0x3  }
0x99: {  	_ =	strace s6  }
0x9a: {  	_ =	strace $0x8FFFFFFF  }
0x9b: {  	s19 =	sld [smem:$0x3FDB];
	_ =	sdelay $0x1  }
0x9c: {  	s7 =	simm.s32 $_scs_section_size  }
0x9d: {  	s8 =	simm.s32 $_size__tile_overlayer_lowered;
	s9 =	simm.s32 $_tile_overlayer_lowered  }
0x9e: {  	s22 =	simm.s32 $0x1BFF;
	s21 =	sshll.u32 s9, $0x1;
	s6 =	sadd.s32 s7, s19  }
0x9f: {  	s10 =	simm.s32 $0x0;
	s20 =	sshll.u32 s8, $0x1;
	s8 =	sadd.s32 s21, s6  }
0xa0: {  	[timem:s10], [sflag:s22] =	dma.local [hbm:s8], s20  }
0xa1: {  	_ =	swait.ge [sflag:s22], s20  }
0xa2: {  	s7 =	ssub.s32 $0x0, s20;
	[sflag:s22] =	ssyncset.done $0x0  }
0xa3: {  	[sflag:s22] =	ssyncadd.s32 s7;
	_ =	sdelay $0x1  }
0xa4: {  	s23 =	simm.s32 $0x1B8B  }
0xa5: {  	_ =	swait.ge [sflag:s23], $0x1  }
0xa6: {  	[sflag:s23] =	ssyncset.done $0x0  }
0xa7: {  	s25 =	simm.s32 $0x1B8E;
	s24 =	sld [smem:$0x3FFE];
	[sflag:s23] =	ssyncadd.s32 $0xFFFFFFFF  }
0xa8: {  	s26 =	simm.s32 $execute0_lowered;
	[smem:$0x3FD2] =	sst s25  }
0xa9: {  	s8 =	sshll.u32 s26, $0x1;
	_ =	strace $0x80000046;
	[dreg:$0x1] =	wrdreg $0xFFFFFFFF  }
0xaa: {  	s28 =	simm.s32 $_size_execute0_lowered;
	s6 =	sadd.s32 s6, s8;
	[dreg:$0x0] =	wrdreg $0x0  }
0xab: {  	s8 =	sshll.u32 s28, $0x1;
	[dreg:$0x2] =	wrdreg s6  }
0xac: {  	[dreg:$0x3] =	wrdreg s8  }
0xad: {  	[dreg:$0x4] =	wrdreg $0xC0  }
0xae: {  	_ =	task [dreg:s10], $0x5FFFF  }
0xaf: {  	[dreg:$0x1] =	wrdreg $0xFFFFFFFF  }
0xb0: {  	[dreg:$0x0] =	wrdreg $0x60  }
0xb1: {  	[dreg:$0x2] =	wrdreg s4  }
0xb2: {  	[dreg:$0x3] =	wrdreg s5  }
0xb3: {  	[dreg:$0x4] =	wrdreg s2  }
0xb4: {  	[dreg:$0x5] =	wrdreg s18  }
0xb5: {  	[dreg:$0x6] =	wrdreg s24  }
0xb6: {  	[dreg:$0x7] =	wrdreg $0x9  }
0xb7: {  	_ =	task.clear_ibuf [dreg:s10], $0x8FFFF;
	_ =	strace $0x90000046  }
0xb8: {  	s29 =	simm.s32 $0x9;
	_ =	strace $0x80000048  }
0xb9: {  	_ =	swait.ge [sflag:s29], $0x1  }
0xba: {  	[sflag:s29] =	ssyncadd.s32 $0xFFFFFFFF  }
0xbb: {  	_ =	strace $0x90000048  }
0xbc: {  	_ =	sfence  }
0xbd: {  	s30 =	sld [smem:$0x0];
	_ =	sdelay $0x2  }
0xbe: {  	s31 =	sshll.u32 s1, $0xD;
	s1 =	sshrl.u32 s1, $0x2  }
0xbf: {  	s3 =	sand.u32 $0x4000, s31;
	s1 =	sadd.s32 s1, s30  }
0xc0: {  	s0 =	sor.u32 s3, s0;
	s1 =	sshll.u32 s1, $0x11  }
0xc1: {  	s0 =	sor.u32 s1, s0  }
0xc2: {  	s0 =	sadd.s32 $0x8F2B, s0  }
0xc3: {  	[sflag:s0] =	ssyncadd.remote.s32 $0x1  }
0xc4: {  	_ =	sfence.sel $0xFFFF  }
0xc5: {  	[dreg:$0x0] =	wrdreg $0xFFFFFFFF;
	(pc) =	sbr.abs _section_cstart, $3  }
0xc6: {  	[dreg:$0x1] =	wrdreg $0xFFFFFFFF  }
0xc7: {  	_ =	task.clear_ibuf [dreg:s10], $0x2FFFF;
	_ =	strace $0x9FFFFFFF  }
0xc8: {  	(tm) =	ssettm $0x7FFFFFFF  }
0xc9: {  	_ =	shalt  }
tec
execute0_lowered:
.L_overlay_start_1:
0x0: {  	(tag) =	ssettag $0x1  }
0x1: {  	s0 =	rddreg [dreg:$0x0]  }
0x2: {  	s2 =	rddreg [dreg:$0x1]  }
0x3: {  	s6 =	rddreg [dreg:$0x2]  }
0x4: {  	s9 =	rddreg [dreg:$0x3]  }
0x5: {  	s3 =	srdreg.scid;
	s1 =	stileid.u32  }
0x6: {  	s10 =	rddreg [dreg:$0x4];
	s4 =	simm.s32 $0x0;
	s13 =	simm.s32 $0x2  }
0x7: {  	s14 =	simm.s32 $0x400;
	s15 =	simm.s32 $0x7A1400;
	s16 =	simm.s32 $0x1  }
0x8: {  	s17 =	simm.s32 $0x80;
	s18 =	simm.s32 $0x10080;
	s21 =	simm.s32 $0x6080  }
0x9: {  	s5 =	sand.u32 $0x1, s3;
	s7 =	sshll.u32 s1, $0x1;
	s3 =	rddreg [dreg:$0x5]  }
0xa: {  	s22 =	simm.s32 $0x0;
	[smem:$0x7FF] =	sst s4;
	s19 =	sor.u32 s5, s7  }
0xb: {  	_ =	strace $0x80000047;
	s8 =	ssub.s32 $0x2, s5;
	s5 =	sadd.s32 $0x1000, s10  }
0xc: {  	s7 =	sshll.u32 s19, $0x4;
	s11 =	sshrl.u32 s8, $0x1;
	s12 =	sshll.u32 s19, $0x3  }
0xd: {  	s6 =	sadd.s32 s6, s19;
	s20 =	sadd.s32 $0xFFFFFFE7, s19;
	p0 =	sgt.u32 s19, $0x18  }
.Ltmp0:
0xe: {  	p2 =	sne.s32 s19, $0x1B;
	s19 =	simm.s32 $0x2080;
	(pc) =	sbr.rel .LBB2_1-.Ltmp0, $4  }
0xf: {  	v0 =	vlaneseq.u32;
	s7 =	sadd.s32 s7, s10;
	s11 =	ssub.s32 s8, s11;
	s12 =	sadd.s32 $0xFFFFFF38, s12  }
0x10: {  	v1 =	vimm.s32 $0x0;
	v0 =	vmul.u32 $0x80, v0;
	s10 =	sadd.s32 $0x1100, s10;
	p1 =	sgt.u32 s20, $0x1;
	s20 =	simm.s32 $0x4080  }
0x11: {  	v5 =	vimm.s32 $0x1;
	v6 =	vimm.s32 $0x2;
	v7 =	vimm.s32 $0x3;
	s7 =	sadd.s32 $0xE00, s7;
	s31 =	sshrl.u32 s12, $0x3;
	s11 =	smax.u32 s11, $0x1  }
0x12: {  	v2 =	vor.u32 $0x800, v0;
	v3 =	vor.u32 $0x1000, v0;
	v4 =	vor.u32 $0x1800, v0;
	s12 =	sshll.u32 s12, $0x4;
	s8 =	sadd.s32 s9, s31;
	s9 =	sadd.s32 $0x2, s9  }
.LBB2_16:
0x13: {  	v8 =	vadd.s32 v11, v10;
	[hbm4b:s25+s4] =	stream.linear.scatter [tilespmem:s18], [sflag:$0x2], $0x80, $0x38;
	[tilespmem:$0x10100] =	vst v63  }
0x14: {  	v8 =	vor.u32 v9, v8;
	_ =	swait.ge [sflag:s13], $0x80  }
0x15: {  	v9 =	vadd.s32 v0, v8;
	[sflag:s13] =	ssyncset.done $0x0  }
0x16: {  	v62 =	vadd.s32 v3, v8;
	[sflag:s13] =	ssyncadd.s32 $0xFFFFFF80  }
0x17: {  	v63 =	vadd.s32 v2, v8;
	_ =	swait.ge [sflag:s16], $0x2000  }
0x18: {  	v8 =	vadd.s32 v4, v8;
	[sflag:s16] =	ssyncset.done $0x0  }
0x19: {  	[sflag:s16] =	ssyncadd.s32 $0xFFFFE000  }
0x1a: {  	v9 =	vld.idx.msk [tilespmem:v9+s17+$0x0], $0xffff  }
0x1b: {  	v10 =	vld.idx.msk [tilespmem:v62+s17+$0x0], $0xffff  }
0x1c: {  	v11 =	vld.idx.msk [tilespmem:v63+s17+$0x0], $0xffff  }
0x1d: {  	v8 =	vld.idx.msk [tilespmem:v8+s17+$0x0], $0xffff;
	_ =	sdelay $0x1  }
0x1e: {  	[tilespmem:$0x10080] =	vst v9  }
0x1f: {  	[tilespmem:$0x100A0] =	vst v10  }
0x20: {  	[tilespmem:$0x10090] =	vst v11  }
0x21: {  	[tilespmem:$0x100B0] =	vst v8  }
0x22: {  	[hbm4b:s23+s4] =	stream.linear.scatter [tilespmem:s18], [sflag:$0x2], $0x80, $0x38;
	[tilespmem:$0x10100] =	vst v63  }
0x23: {  	_ =	swait.ge [sflag:s13], $0x80  }
0x24: {  	[sflag:s13] =	ssyncset.done $0x0  }
0x25: {  	[sflag:s13] =	ssyncadd.s32 $0xFFFFFF80  }
.LBB2_17:
0x26: {  	s22 =	sadd.s32 $0x1, s22  }
0x27: {  	p3 =	sne.s32 s22, s11  }
.Ltmp1:
0x28: {  	_ = 	snop;
	(pc) =	sbr.rel @!p3 .LBB2_18-.Ltmp1, $1  }
0x29: {  	_ =	sdelay $0x3  }
.LBB2_1:
.Ltmp2:
0x2a: {  	(pc) =	sbr.rel @p0 .LBB2_7-.Ltmp2, $1  }
0x2b: {  	_ =	sdelay $0x3  }
0x2c: {  	s23 =	simm.s32 $0x0  }
0x2d: {  	[tilespmem:s23], [sflag:$0x2] =	stream.linear.gather [hbm4b:s6+s23], $0x8, $0x38;
	[tilespmem:$0x10100] =	vst v63  }
0x2e: {  	_ =	swait.ge [sflag:s13], $0x8  }
0x2f: {  	[sflag:s13] =	ssyncset.done $0x0  }
0x30: {  	[sflag:s13] =	ssyncadd.s32 $0xFFFFFFF8  }
0x31: {  	v8 =	vld [tilespmem:$0x0];
	_ =	sdelay $0x4  }
0x32: {  	v9 =	vshra.s32 v8, $0x1F  }
0x33: {  	v9 =	vshrl.u32 v9, $0x19  }
0x34: {  	v9 =	vadd.s32 v9, v8  }
0x35: {  	v9 =	vshra.s32 v9, $0x7  }
0x36: {  	v10 =	vshll.u32 v9, $0x7  }
0x37: {  	vm0 =	vlt.s32 v8, $0x1;
	vm1 =	vne.s32 v8, v10  }
0x38: {  	vm0 =	vmand vm0, vm1  }
0x39: {  	v10 =	vsel vm0, $0xFFFFFFFF, v1  }
0x3a: {  	v9 =	vadd.s32 v10, v9  }
0x3b: {  	v10 =	vmov s23;
	v9 =	vshll.u32 v9, $0x7  }
0x3c: {  	v10 =	vperm.xlane v9, v10;
	_ =	sdelay $0x1  }
0x3d: {  	(v2sf) =	vpush v10, $0x0;
	_ =	sdelay $0x7  }
0x3e: {  	s30 =	simm.s32 $0x1  }
0x3f: {  	v10 =	vmov s30  }
0x40: {  	v10 =	vperm.xlane v9, v10  }
0x41: {  	s31 =	simm.s32 $0x2  }
0x42: {  	v11 =	vmov s31;
	(v2sf) =	vpush v10, $0x0  }
0x43: {  	v11 =	vperm.xlane v9, v11;
	_ =	sdelay $0x1  }
0x44: {  	s24 =	spop (v2sf);
	(v2sf) =	vpush v11, $0x0;
	_ =	sdelay $0x4  }
0x45: {  	s25 =	simm.s32 $0x3  }
0x46: {  	v12 =	vmov s25;
	s24 =	sand.u32 $0xFFFFF80, s24  }
0x47: {  	s23 =	simm.s32 $0x80;
	v10 =	vperm.xlane v9, v12;
	s24 =	sadd.s32 s0, s24  }
0x48: {  	[tilespmem:s23], [sflag:$0x1] =	stream.strided.gather [hbm4b:s24+s14], $0x2000, s15, s14, $0x38;
	[tilespmem:$0x10100] =	vst v63  }
0x49: {  	(v2sf) =	vpush v10, $0x0;
	s24 =	simm.s32 $0x4  }
.LBB2_3:
0x4a: {  	p3 =	sne.s32 s24, $0x7  }
.Ltmp3:
0x4b: {  	_ = 	snop;
	(pc) =	sbr.rel @p3 .LBB2_3-.Ltmp3, $4  }
0x4c: {  	v10 =	vmov s24;
	s25 =	spop (v2sf)  }
0x4d: {  	v10 =	vperm.xlane v9, v10;
	s25 =	sand.u32 $0xFFFFF80, s25  }
0x4e: {  	s24 =	sadd.s32 $0x1, s24;
	s23 =	sadd.s32 $0x2000, s23;
	s25 =	sadd.s32 s0, s25  }
0x4f: {  	(v2sf) =	vpush v10, $0x0;
	[tilespmem:s23], [sflag:$0x1] =	stream.strided.gather [hbm4b:s25+s14], $0x2000, s15, s14, $0x38;
	[tilespmem:$0x10100] =	vst v63  }
0x50: {  	_ =	sdelay $0x7  }
0x51: {  	s24 =	spop (v2sf)  }
0x52: {  	s26 =	simm.s32 $0x0;
	s24 =	sand.u32 $0xFFFFF80, s24;
	s25 =	spop (v2sf)  }
0x53: {  	s23 =	sadd.s32 $0x2000, s23;
	v8 =	vand.u32 $0x7F, v8;
	v9 =	vmov s26;
	s24 =	sadd.s32 s0, s24;
	s28 =	sand.u32 $0xFFFFF80, s25  }
0x54: {  	v10 =	vperm.xlane v8, v9;
	[tilespmem:s23], [sflag:$0x1] =	stream.strided.gather [hbm4b:s24+s14], $0x2000, s15, s14, $0x38;
	[tilespmem:$0x10100] =	vst v63  }
0x55: {  	s24 =	sadd.s32 s0, s28;
	s23 =	sadd.s32 $0x2000, s23  }
0x56: {  	v9 =	vshll.u32 v9, $0xD;
	v11 =	vand.u32 $0xFFFFFF80, v10;
	[tilespmem:s23], [sflag:$0x1] =	stream.strided.gather [hbm4b:s24+s14], $0x2000, s15, s14, $0x38;
	[tilespmem:$0x10100] =	vst v63  }
0x57: {  	v10 =	vand.u32 $0x7F, v10;
	v9 =	vadd.s32 v9, v11;
	s29 =	spop (v2sf)  }
0x58: {  	s30 =	simm.s32 $0x1;
	v9 =	vor.u32 v10, v9;
	s24 =	sand.u32 $0xFFFFF80, s29  }
0x59: {  	v12 =	vmov s30;
	s23 =	sadd.s32 $0x2000, s23;
	v10 =	vadd.s32 v0, v9;
	s24 =	sadd.s32 s0, s24  }
0x5a: {  	v13 =	vperm.xlane v8, v12;
	v11 =	vadd.s32 v2, v9;
	[tilespmem:s23], [sflag:$0x1] =	stream.strided.gather [hbm4b:s24+s14], $0x2000, s15, s14, $0x38;
	[tilespmem:$0x10100] =	vst v63  }
0x5b: {  	v14 =	vadd.s32 v3, v9;
	_ =	swait.ge [sflag:s16], $0x2000  }
0x5c: {  	v15 =	vadd.s32 v4, v9;
	v9 =	vshll.u32 v12, $0xD;
	v12 =	vand.u32 $0xFFFFFF80, v13;
	[sflag:s16] =	ssyncset.done $0x0  }
0x5d: {  	v13 =	vand.u32 $0x7F, v13;
	v12 =	vadd.s32 v9, v12;
	[sflag:s16] =	ssyncadd.s32 $0xFFFFE000  }
0x5e: {  	v16 =	vor.u32 v13, v12;
	v9 =	vld.idx.msk [tilespmem:v10+s17+$0x0], $0xffff  }
0x5f: {  	v19 =	vadd.s32 v0, v16;
	v18 =	vadd.s32 v2, v16;
	v10 =	vld.idx.msk [tilespmem:v11+s17+$0x0], $0xffff  }
0x60: {  	s31 =	simm.s32 $0x2;
	v17 =	vadd.s32 v4, v16;
	v20 =	vadd.s32 v3, v16;
	v16 =	vimm.f32 $0.0e+00;
	v12 =	vld.idx.msk [tilespmem:v14+s17+$0x0], $0xffff  }
0x61: {  	v11 =	vimm.f32 $0.0e+00;
	v14 =	vmov s31;
	v13 =	vld.idx.msk [tilespmem:v15+s17+$0x0], $0xffff;
	_ =	swait.ge [sflag:s16], $0x2000;
	v15 =	vimm.f32 $0.0e+00  }
0x62: {  	s23 =	simm.s32 $0x3;
	v21 =	vperm.xlane v8, v14;
	v22 =	vshll.u32 v14, $0xD;
	[sflag:s16] =	ssyncset.done $0x0;
	v14 =	vimm.f32 $0.0e+00  }
.LBB2_5:
0x63: {  	p3 =	sne.s32 s23, $0x7  }
0x64: {  	v23 =	vand.u32 $0xFFFFFF80, v21;
	[sflag:s16] =	ssyncadd.s32 $0xFFFFE000;
	s24 =	smov.u32 s23;
	s23 =	sadd.s32 $0x1, s23  }
0x65: {  	v21 =	vand.u32 $0x7F, v21;
	v11 =	vadd.f32 v9, v11;
	v22 =	vadd.s32 v22, v23;
	v9 =	vld.idx.msk [tilespmem:v19+s17+$0x0], $0xffff  }
.Ltmp4:
0x66: {  	v16 =	vadd.f32 v10, v16;
	v15 =	vadd.f32 v12, v15;
	v23 =	vor.u32 v21, v22;
	v10 =	vld.idx.msk [tilespmem:v18+s17+$0x0], $0xffff;
	(pc) =	sbr.rel @p3 .LBB2_5-.Ltmp4, $4  }
0x67: {  	v14 =	vadd.f32 v13, v14;
	v19 =	vadd.s32 v0, v23;
	v18 =	vadd.s32 v2, v23;
	v12 =	vld.idx.msk [tilespmem:v20+s17+$0x0], $0xffff  }
0x68: {  	v20 =	vmov s24;
	v13 =	vld.idx.msk [tilespmem:v17+s17+$0x0], $0xffff;
	v17 =	vadd.s32 v4, v23  }
0x69: {  	v21 =	vperm.xlane v8, v20;
	v22 =	vshll.u32 v20, $0xD;
	v20 =	vadd.s32 v3, v23;
	_ =	swait.ge [sflag:s16], $0x2000  }
0x6a: {  	[sflag:s16] =	ssyncset.done $0x0  }
0x6b: {  	_ =	sdelay $0x1  }
0x6c: {  	v8 =	vand.u32 $0xFFFFFF80, v21  }
0x6d: {  	[sflag:s16] =	ssyncadd.s32 $0xFFFFE000;
	v59 =	vand.u32 $0x7F, v21;
	v8 =	vadd.s32 v22, v8  }
0x6e: {  	v19 =	vld.idx.msk [tilespmem:v19+s17+$0x0], $0xffff;
	v8 =	vor.u32 v59, v8  }
0x6f: {  	v18 =	vld.idx.msk [tilespmem:v18+s17+$0x0], $0xffff;
	v21 =	vadd.s32 v0, v8  }
0x70: {  	v20 =	vld.idx.msk [tilespmem:v20+s17+$0x0], $0xffff;
	v60 =	vadd.s32 v2, v8  }
0x71: {  	v17 =	vld.idx.msk [tilespmem:v17+s17+$0x0], $0xffff;
	_ =	swait.ge [sflag:s16], $0x2000;
	v23 =	vadd.s32 v3, v8  }
0x72: {  	[sflag:s16] =	ssyncset.done $0x0;
	v8 =	vadd.s32 v4, v8  }
0x73: {  	[sflag:s16] =	ssyncadd.s32 $0xFFFFE000  }
0x74: {  	v21 =	vld.idx.msk [tilespmem:v21+s17+$0x0], $0xffff  }
0x75: {  	v9 =	vadd.f32 v9, v11;
	v61 =	vld.idx.msk [tilespmem:v60+s17+$0x0], $0xffff  }
0x76: {  	v10 =	vadd.f32 v10, v16;
	v62 =	vld.idx.msk [tilespmem:v23+s17+$0x0], $0xffff  }
0x77: {  	v12 =	vadd.f32 v12, v15;
	v9 =	vadd.f32 v19, v9;
	v8 =	vld.idx.msk [tilespmem:v8+s17+$0x0], $0xffff  }
0x78: {  	v13 =	vadd.f32 v13, v14;
	v10 =	vadd.f32 v18, v10  }
0x79: {  	v12 =	vadd.f32 v20, v12;
	v9 =	vadd.f32 v21, v9  }
0x7a: {  	v13 =	vadd.f32 v17, v13;
	v10 =	vadd.f32 v61, v10  }
0x7b: {  	v63 =	vadd.f32 v62, v12;
	[tilespmem:$0x10080] =	vst v9  }
0x7c: {  	v8 =	vadd.f32 v8, v13;
	[tilespmem:$0x10090] =	vst v10  }
0x7d: {  	[tilespmem:$0x100A0] =	vst v63  }
.Ltmp5:
0x7e: {  	[tilespmem:$0x100B0] =	vst v8;
	(pc) =	sbr.rel .LBB2_17-.Ltmp5, $4  }
0x7f: {  	[hbm4b:s7+s4] =	stream.linear.scatter [tilespmem:s18], [sflag:$0x2], $0x80, $0x38;
	[tilespmem:$0x10100] =	vst v63  }
0x80: {  	_ =	swait.ge [sflag:s13], $0x80  }
0x81: {  	[sflag:s13] =	ssyncset.done $0x0  }
0x82: {  	[sflag:s13] =	ssyncadd.s32 $0xFFFFFF80  }
.LBB2_7:
.Ltmp6:
0x83: {  	(pc) =	sbr.rel @p1 .LBB2_13-.Ltmp6, $1  }
0x84: {  	_ =	sdelay $0x3  }
0x85: {  	s23 =	simm.s32 $0x0  }
0x86: {  	[tilespmem:s23], [sflag:$0x2] =	stream.linear.gather [hbm4b:s8+s23], $0x8, $0x38;
	[tilespmem:$0x10100] =	vst v63  }
0x87: {  	_ =	swait.ge [sflag:s13], $0x8  }
0x88: {  	[sflag:s13] =	ssyncset.done $0x0  }
0x89: {  	[sflag:s13] =	ssyncadd.s32 $0xFFFFFFF8  }
0x8a: {  	v8 =	vld [tilespmem:$0x0];
	_ =	sdelay $0x4  }
0x8b: {  	v9 =	vshra.s32 v8, $0x1F  }
0x8c: {  	v9 =	vshrl.u32 v9, $0x19  }
0x8d: {  	v9 =	vadd.s32 v9, v8  }
0x8e: {  	v9 =	vshra.s32 v9, $0x7  }
0x8f: {  	v10 =	vshll.u32 v9, $0x7  }
0x90: {  	vm0 =	vlt.s32 v8, $0x1;
	vm1 =	vne.s32 v8, v10  }
0x91: {  	vm0 =	vmand vm0, vm1  }
0x92: {  	v10 =	vsel vm0, $0xFFFFFFFF, v1  }
0x93: {  	v9 =	vadd.s32 v10, v9  }
0x94: {  	v10 =	vmov s23;
	v9 =	vshll.u32 v9, $0x7  }
0x95: {  	v10 =	vperm.xlane v9, v10;
	_ =	sdelay $0x1  }
0x96: {  	(v2sf) =	vpush v10, $0x0;
	_ =	sdelay $0x7  }
0x97: {  	s30 =	simm.s32 $0x1  }
0x98: {  	v10 =	vmov s30  }
0x99: {  	v10 =	vperm.xlane v9, v10  }
0x9a: {  	s31 =	simm.s32 $0x2  }
0x9b: {  	v11 =	vmov s31;
	(v2sf) =	vpush v10, $0x0  }
0x9c: {  	v11 =	vperm.xlane v9, v11;
	_ =	sdelay $0x1  }
0x9d: {  	s24 =	spop (v2sf);
	(v2sf) =	vpush v11, $0x0;
	_ =	sdelay $0x4  }
0x9e: {  	s25 =	simm.s32 $0x3  }
0x9f: {  	v12 =	vmov s25;
	s24 =	sand.u32 $0xFFFFF80, s24  }
0xa0: {  	s23 =	simm.s32 $0x80;
	v10 =	vperm.xlane v9, v12;
	s24 =	sadd.s32 s2, s24  }
0xa1: {  	[tilespmem:s23], [sflag:$0x1] =	stream.strided.gather [hbm4b:s24+s14], $0x2000, s15, s14, $0x38;
	[tilespmem:$0x10100] =	vst v63  }
0xa2: {  	(v2sf) =	vpush v10, $0x0;
	s24 =	simm.s32 $0x4  }
.LBB2_9:
0xa3: {  	p3 =	sne.s32 s24, $0x7  }
.Ltmp7:
0xa4: {  	_ = 	snop;
	(pc) =	sbr.rel @p3 .LBB2_9-.Ltmp7, $4  }
0xa5: {  	v10 =	vmov s24;
	s25 =	spop (v2sf)  }
0xa6: {  	v10 =	vperm.xlane v9, v10;
	s25 =	sand.u32 $0xFFFFF80, s25  }
0xa7: {  	s24 =	sadd.s32 $0x1, s24;
	s23 =	sadd.s32 $0x2000, s23;
	s25 =	sadd.s32 s2, s25  }
0xa8: {  	(v2sf) =	vpush v10, $0x0;
	[tilespmem:s23], [sflag:$0x1] =	stream.strided.gather [hbm4b:s25+s14], $0x2000, s15, s14, $0x38;
	[tilespmem:$0x10100] =	vst v63  }
0xa9: {  	_ =	sdelay $0x7  }
0xaa: {  	s24 =	spop (v2sf)  }
0xab: {  	s26 =	simm.s32 $0x0;
	s24 =	sand.u32 $0xFFFFF80, s24;
	s25 =	spop (v2sf)  }
0xac: {  	s23 =	sadd.s32 $0x2000, s23;
	v8 =	vand.u32 $0x7F, v8;
	v9 =	vmov s26;
	s24 =	sadd.s32 s2, s24;
	s28 =	sand.u32 $0xFFFFF80, s25  }
0xad: {  	v10 =	vperm.xlane v8, v9;
	[tilespmem:s23], [sflag:$0x1] =	stream.strided.gather [hbm4b:s24+s14], $0x2000, s15, s14, $0x38;
	[tilespmem:$0x10100] =	vst v63  }
0xae: {  	s24 =	sadd.s32 s2, s28;
	s23 =	sadd.s32 $0x2000, s23  }
0xaf: {  	v9 =	vshll.u32 v9, $0xD;
	v11 =	vand.u32 $0xFFFFFF80, v10;
	[tilespmem:s23], [sflag:$0x1] =	stream.strided.gather [hbm4b:s24+s14], $0x2000, s15, s14, $0x38;
	[tilespmem:$0x10100] =	vst v63  }
0xb0: {  	v10 =	vand.u32 $0x7F, v10;
	v9 =	vadd.s32 v9, v11;
	s29 =	spop (v2sf)  }
0xb1: {  	v9 =	vor.u32 v10, v9;
	s24 =	sand.u32 $0xFFFFF80, s29  }
0xb2: {  	s23 =	sadd.s32 $0x2000, s23;
	v10 =	vadd.s32 v0, v9;
	s24 =	sadd.s32 s2, s24  }
0xb3: {  	v11 =	vadd.s32 v3, v9;
	[tilespmem:s23], [sflag:$0x1] =	stream.strided.gather [hbm4b:s24+s14], $0x2000, s15, s14, $0x38;
	[tilespmem:$0x10100] =	vst v63  }
0xb4: {  	v12 =	vadd.s32 v2, v9;
	_ =	swait.ge [sflag:s16], $0x2000  }
0xb5: {  	v9 =	vadd.s32 v4, v9;
	[sflag:s16] =	ssyncset.done $0x0  }
0xb6: {  	[sflag:s16] =	ssyncadd.s32 $0xFFFFE000  }
0xb7: {  	v10 =	vld.idx.msk [tilespmem:v10+s17+$0x0], $0xffff  }
0xb8: {  	v11 =	vld.idx.msk [tilespmem:v11+s17+$0x0], $0xffff  }
0xb9: {  	v12 =	vld.idx.msk [tilespmem:v12+s17+$0x0], $0xffff  }
0xba: {  	v13 =	vld.idx.msk [tilespmem:v9+s17+$0x0], $0xffff  }
0xbb: {  	s30 =	simm.s32 $0x1  }
0xbc: {  	v14 =	vmov s30;
	[tilespmem:$0x10080] =	vst v10  }
0xbd: {  	v9 =	vperm.xlane v8, v14;
	[tilespmem:$0x100A0] =	vst v11  }
0xbe: {  	s31 =	sand.u32 $0x1FFFFFF0, s12;
	[tilespmem:$0x10090] =	vst v12  }
0xbf: {  	s25 =	sadd.s32 s5, s31;
	s24 =	simm.s32 $0x2;
	s23 =	sadd.s32 $0x10, s12;
	v10 =	vand.u32 $0xFFFFFF80, v9;
	v9 =	vand.u32 $0x7F, v9;
	v11 =	vshll.u32 v14, $0xD;
	[tilespmem:$0x100B0] =	vst v13  }
.LBB2_11:
0xc0: {  	[hbm4b:s25+s4] =	stream.linear.scatter [tilespmem:s18], [sflag:$0x2], $0x80, $0x38;
	[tilespmem:$0x10100] =	vst v63  }
0xc1: {  	v10 =	vadd.s32 v11, v10;
	s25 =	smov.u32 s24  }
0xc2: {  	p3 =	seq.s32 s24, $0x7;
	s24 =	sadd.s32 $0x1, s24;
	v9 =	vor.u32 v9, v10;
	_ =	swait.ge [sflag:s13], $0x80  }
0xc3: {  	v10 =	vadd.s32 v0, v9;
	v11 =	vadd.s32 v2, v9;
	v12 =	vadd.s32 v3, v9;
	[sflag:s13] =	ssyncset.done $0x0  }
0xc4: {  	v9 =	vadd.s32 v4, v9;
	[sflag:s13] =	ssyncadd.s32 $0xFFFFFF80  }
0xc5: {  	_ =	swait.ge [sflag:s16], $0x2000  }
0xc6: {  	[sflag:s16] =	ssyncset.done $0x0  }
0xc7: {  	[sflag:s16] =	ssyncadd.s32 $0xFFFFE000  }
0xc8: {  	v10 =	vld.idx.msk [tilespmem:v10+s17+$0x0], $0xffff  }
0xc9: {  	v12 =	vld.idx.msk [tilespmem:v12+s17+$0x0], $0xffff  }
0xca: {  	v11 =	vld.idx.msk [tilespmem:v11+s17+$0x0], $0xffff  }
0xcb: {  	v13 =	vld.idx.msk [tilespmem:v9+s17+$0x0], $0xffff;
	_ =	sdelay $0x1  }
.Ltmp8:
0xcc: {  	(pc) =	sbr.rel @!p3 .LBB2_11-.Ltmp8, $4  }
0xcd: {  	v14 =	vmov s25;
	[tilespmem:$0x10080] =	vst v10  }
0xce: {  	s25 =	sand.u32 $0x1FFFFFF0, s23;
	v9 =	vperm.xlane v8, v14;
	[tilespmem:$0x100A0] =	vst v12  }
0xcf: {  	s25 =	sadd.s32 s5, s25;
	[tilespmem:$0x10090] =	vst v11  }
0xd0: {  	s23 =	sadd.s32 $0x10, s23;
	v10 =	vand.u32 $0xFFFFFF80, v9;
	v9 =	vand.u32 $0x7F, v9;
	v11 =	vshll.u32 v14, $0xD;
	[tilespmem:$0x100B0] =	vst v13  }
0xd1: {  	v8 =	vadd.s32 v11, v10;
	[hbm4b:s25+s4] =	stream.linear.scatter [tilespmem:s18], [sflag:$0x2], $0x80, $0x38;
	[tilespmem:$0x10100] =	vst v63  }
0xd2: {  	v8 =	vor.u32 v9, v8;
	_ =	swait.ge [sflag:s13], $0x80  }
0xd3: {  	v9 =	vadd.s32 v0, v8;
	[sflag:s13] =	ssyncset.done $0x0  }
0xd4: {  	v62 =	vadd.s32 v3, v8;
	[sflag:s13] =	ssyncadd.s32 $0xFFFFFF80  }
0xd5: {  	v63 =	vadd.s32 v2, v8;
	_ =	swait.ge [sflag:s16], $0x2000  }
0xd6: {  	v8 =	vadd.s32 v4, v8;
	[sflag:s16] =	ssyncset.done $0x0  }
0xd7: {  	[sflag:s16] =	ssyncadd.s32 $0xFFFFE000  }
0xd8: {  	v9 =	vld.idx.msk [tilespmem:v9+s17+$0x0], $0xffff  }
0xd9: {  	v10 =	vld.idx.msk [tilespmem:v62+s17+$0x0], $0xffff  }
0xda: {  	v11 =	vld.idx.msk [tilespmem:v63+s17+$0x0], $0xffff  }
0xdb: {  	v8 =	vld.idx.msk [tilespmem:v8+s17+$0x0], $0xffff;
	_ =	sdelay $0x1  }
0xdc: {  	[tilespmem:$0x10080] =	vst v9  }
0xdd: {  	[tilespmem:$0x100A0] =	vst v10  }
0xde: {  	s23 =	sand.u32 $0x1FFFFFF0, s23;
	[tilespmem:$0x10090] =	vst v11  }
.Ltmp9:
0xdf: {  	s23 =	sadd.s32 s5, s23;
	[tilespmem:$0x100B0] =	vst v8;
	(pc) =	sbr.rel .LBB2_17-.Ltmp9, $4  }
0xe0: {  	[hbm4b:s23+s4] =	stream.linear.scatter [tilespmem:s18], [sflag:$0x2], $0x80, $0x38;
	[tilespmem:$0x10100] =	vst v63  }
0xe1: {  	_ =	swait.ge [sflag:s13], $0x80  }
0xe2: {  	[sflag:s13] =	ssyncset.done $0x0  }
0xe3: {  	[sflag:s13] =	ssyncadd.s32 $0xFFFFFF80  }
.LBB2_13:
.Ltmp10:
0xe4: {  	(pc) =	sbr.rel @p2 .LBB2_17-.Ltmp10, $1  }
0xe5: {  	_ =	sdelay $0x3  }
0xe6: {  	s23 =	simm.s32 $0x0  }
0xe7: {  	[tilespmem:s23], [sflag:$0x2] =	stream.linear.gather [hbm4b:s9+s23], $0x4, $0x38;
	[tilespmem:$0x10100] =	vst v63  }
0xe8: {  	_ =	swait.ge [sflag:s13], $0x4  }
0xe9: {  	[sflag:s13] =	ssyncset.done $0x0  }
0xea: {  	[sflag:s13] =	ssyncadd.s32 $0xFFFFFFFC  }
0xeb: {  	v8 =	vld [tilespmem:$0x0];
	_ =	sdelay $0x4  }
0xec: {  	v9 =	vshra.s32 v8, $0x1F  }
0xed: {  	v9 =	vshrl.u32 v9, $0x19  }
0xee: {  	v9 =	vadd.s32 v9, v8  }
0xef: {  	v9 =	vshra.s32 v9, $0x7  }
0xf0: {  	v10 =	vshll.u32 v9, $0x7  }
0xf1: {  	vm0 =	vlt.s32 v8, $0x1;
	vm1 =	vne.s32 v8, v10  }
0xf2: {  	vm0 =	vmand vm0, vm1  }
0xf3: {  	v10 =	vsel vm0, $0xFFFFFFFF, v1  }
0xf4: {  	v9 =	vadd.s32 v10, v9  }
0xf5: {  	v9 =	vshll.u32 v9, $0x7  }
0xf6: {  	v10 =	vperm.xlane v9, v1;
	_ =	sdelay $0x1  }
0xf7: {  	(v2sf) =	vpush v10, $0x0;
	v10 =	vperm.xlane v9, v5;
	_ =	sdelay $0x1  }
0xf8: {  	(v2sf) =	vpush v10, $0x0  }
0xf9: {  	v10 =	vperm.xlane v9, v6;
	_ =	sdelay $0x1  }
0xfa: {  	(v2sf) =	vpush v10, $0x0  }
0xfb: {  	v9 =	vperm.xlane v9, v7;
	_ =	sdelay $0x1  }
0xfc: {  	(v2sf) =	vpush v9, $0x0;
	_ =	sdelay $0x6  }
0xfd: {  	s24 =	spop (v2sf)  }
0xfe: {  	s24 =	sand.u32 $0xFFFFF80, s24  }
0xff: {  	s25 =	spop (v2sf);
	s24 =	sadd.s32 s2, s24  }
0x100: {  	[tilespmem:s17], [sflag:$0x1] =	stream.strided.gather [hbm4b:s24+s14], $0x2000, s15, s14, $0x38;
	[tilespmem:$0x10100] =	vst v63  }
0x101: {  	s26 =	sand.u32 $0xFFFFF80, s25  }
0x102: {  	v8 =	vand.u32 $0x7F, v8;
	v9 =	vmov s23;
	s28 =	spop (v2sf);
	s24 =	sadd.s32 s2, s26  }
0x103: {  	v10 =	vperm.xlane v8, v9;
	[tilespmem:s19], [sflag:$0x1] =	stream.strided.gather [hbm4b:s24+s14], $0x2000, s15, s14, $0x38;
	[tilespmem:$0x10100] =	vst v63  }
0x104: {  	s29 =	sand.u32 $0xFFFFF80, s28  }
0x105: {  	v9 =	vshll.u32 v9, $0xD;
	v11 =	vand.u32 $0xFFFFFF80, v10;
	s30 =	spop (v2sf);
	s23 =	sadd.s32 s2, s29  }
0x106: {  	v10 =	vand.u32 $0x7F, v10;
	v9 =	vadd.s32 v9, v11;
	[tilespmem:s20], [sflag:$0x1] =	stream.strided.gather [hbm4b:s23+s14], $0x2000, s15, s14, $0x38;
	[tilespmem:$0x10100] =	vst v63  }
0x107: {  	v9 =	vor.u32 v10, v9;
	s23 =	sand.u32 $0xFFFFF80, s30  }
0x108: {  	v10 =	vadd.s32 v0, v9;
	s23 =	sadd.s32 s2, s23  }
0x109: {  	v11 =	vadd.s32 v3, v9;
	[tilespmem:s21], [sflag:$0x1] =	stream.strided.gather [hbm4b:s23+s14], $0x2000, s15, s14, $0x38;
	[tilespmem:$0x10100] =	vst v63  }
0x10a: {  	v12 =	vadd.s32 v2, v9;
	_ =	swait.ge [sflag:s16], $0x2000  }
0x10b: {  	v9 =	vadd.s32 v4, v9;
	[sflag:s16] =	ssyncset.done $0x0  }
0x10c: {  	[sflag:s16] =	ssyncadd.s32 $0xFFFFE000  }
0x10d: {  	v10 =	vld.idx.msk [tilespmem:v10+s17+$0x0], $0xffff  }
0x10e: {  	v11 =	vld.idx.msk [tilespmem:v11+s17+$0x0], $0xffff  }
0x10f: {  	v12 =	vld.idx.msk [tilespmem:v12+s17+$0x0], $0xffff  }
0x110: {  	v13 =	vld.idx.msk [tilespmem:v9+s17+$0x0], $0xffff  }
0x111: {  	s31 =	simm.s32 $0x1  }
0x112: {  	v14 =	vmov s31;
	[tilespmem:$0x10080] =	vst v10  }
0x113: {  	v9 =	vperm.xlane v8, v14;
	[tilespmem:$0x100A0] =	vst v11  }
0x114: {  	[tilespmem:$0x10090] =	vst v12  }
0x115: {  	s25 =	smov.u32 s10;
	s24 =	simm.s32 $0x2;
	s23 =	sadd.s32 $0x10, s10;
	v10 =	vand.u32 $0xFFFFFF80, v9;
	v9 =	vand.u32 $0x7F, v9;
	v11 =	vshll.u32 v14, $0xD;
	[tilespmem:$0x100B0] =	vst v13  }
.LBB2_15:
0x116: {  	[hbm4b:s25+s4] =	stream.linear.scatter [tilespmem:s18], [sflag:$0x2], $0x80, $0x38;
	[tilespmem:$0x10100] =	vst v63  }
0x117: {  	v10 =	vadd.s32 v11, v10;
	s26 =	smov.u32 s24;
	s25 =	smov.u32 s23  }
0x118: {  	p3 =	sne.s32 s24, $0x3;
	s24 =	sadd.s32 $0x1, s24;
	v9 =	vor.u32 v9, v10;
	_ =	swait.ge [sflag:s13], $0x80  }
0x119: {  	v10 =	vadd.s32 v0, v9;
	v11 =	vadd.s32 v2, v9;
	v12 =	vadd.s32 v3, v9;
	[sflag:s13] =	ssyncset.done $0x0  }
0x11a: {  	v9 =	vadd.s32 v4, v9;
	[sflag:s13] =	ssyncadd.s32 $0xFFFFFF80  }
0x11b: {  	_ =	swait.ge [sflag:s16], $0x2000  }
0x11c: {  	[sflag:s16] =	ssyncset.done $0x0  }
0x11d: {  	[sflag:s16] =	ssyncadd.s32 $0xFFFFE000  }
0x11e: {  	v10 =	vld.idx.msk [tilespmem:v10+s17+$0x0], $0xffff  }
0x11f: {  	v12 =	vld.idx.msk [tilespmem:v12+s17+$0x0], $0xffff  }
0x120: {  	v11 =	vld.idx.msk [tilespmem:v11+s17+$0x0], $0xffff  }
0x121: {  	v13 =	vld.idx.msk [tilespmem:v9+s17+$0x0], $0xffff;
	_ =	sdelay $0x1  }
.Ltmp11:
0x122: {  	(pc) =	sbr.rel @p3 .LBB2_15-.Ltmp11, $4  }
0x123: {  	v14 =	vmov s26;
	[tilespmem:$0x10080] =	vst v10  }
0x124: {  	v9 =	vperm.xlane v8, v14;
	[tilespmem:$0x100A0] =	vst v12  }
0x125: {  	[tilespmem:$0x10090] =	vst v11  }
0x126: {  	s23 =	sadd.s32 $0x10, s23;
	v10 =	vand.u32 $0xFFFFFF80, v9;
	v9 =	vand.u32 $0x7F, v9;
	v11 =	vshll.u32 v14, $0xD;
	[tilespmem:$0x100B0] =	vst v13  }
.Ltmp12:
0x127: {  	_ = 	snop;
	(pc) =	sbr.rel .LBB2_16-.Ltmp12, $1  }
0x128: {  	_ =	sdelay $0x3  }
.LBB2_18:
0x129: {  	_ =	sfence.sel $0x180000  }
0x12a: {  	[bflag:$0x0] =	sbarrier.arrive $0xFFFF  }
0x12b: {  	p0 =	sne.s32 s1, $0x0;
	_ =	strace $0x90000047  }
0x12c: {  	s0 =	sadd.s32 @!p0 $0x100000, s3;
	[bflag:$0x2] =	sbarrier.arrive $0xFFFF  }
0x12d: {  	[sflag:s0] =	ssyncadd.tile.s32 @!p0 $0x1;
	_ =	shalt  }
.Lfunc_end2:
_tile_overlayer_lowered:
.L_overlay_start_2:
0x12e: {  	(tag) =	ssettag $0x2  }
0x12f: {  	s0 =	rddreg [dreg:$0x0];
	s2 =	stileid.u32  }
0x130: {  	s1 =	rddreg [dreg:$0x1];
	p0 =	sne.s32 s2, $0x0  }
0x131: {  	s3 =	rddreg [dreg:$0x2];
	[bflag:$0x3] =	sbarrier.arrive $0xFFFF;
	s2 =	simm.s32 @!p0 $0x1C02  }
0x132: {  	[timem:s3], [sflag:s2] =	dma.local @!p0 [hbm:s0], s1  }
0x133: {  	s0 =	simm.s32 @!p0 $0x2  }
0x134: {  	_ =	swait.ge @!p0 [sflag:s0], s1  }
0x135: {  	s1 =	ssub.s32 @!p0 $0x0, s1;
	[sflag:s0] =	ssyncset.done @!p0 $0x0  }
0x136: {  	[sflag:s0] =	ssyncadd.s32 @!p0 s1  }
0x137: {  	[bflag:$0x3] =	sbarrier.arrive $0xFFFF  }
0x138: {  	_ =	shalt  }

</sc_bundles>
